<compile_context>
chip_gen: v7x
topology: tpu7x:2x2x1
jax: 0.10.2.dev20260603
libtpu: 0.0.44.dev20260713+nightly
codegen_flags: <defaults>
</compile_context>

<pallas_src>
import functools

import jax
import jax.numpy as jnp
from jax import lax
from jax.experimental import pallas as pl
from jax.experimental.pallas import tpu as pltpu
from jax.experimental.pallas import tpu_sc as plsc

_VOCAB = 100000
_EMBD = 128
_CTX = 10
_HID = 512
_BN = 1280
_NC = _VOCAB // _BN
_TAIL = _VOCAB - _NC * _BN
_NBUF = 6
_NSTEP = _NC // _NBUF



def _sc_gather(idx, emb):
    n = idx.shape[0]
    mesh = plsc.VectorSubcoreMesh(core_axis_name="c", subcore_axis_name="s")

    @functools.partial(
        pl.kernel,
        out_type=jax.ShapeDtypeStruct((n, _EMBD), jnp.float32),
        mesh=mesh,
        scratch_types=[
            pltpu.VMEM((n,), jnp.int32),
            pltpu.VMEM((n, _EMBD), jnp.float32),
            pltpu.SemaphoreType.DMA,
        ],
    )
    def k(idx_hbm, emb_hbm, out_hbm, idx_v, rows_v, sem):
        c = lax.axis_index("c")
        s = lax.axis_index("s")

        @pl.when(jnp.logical_and(c == 0, s == 0))
        def _():
            pltpu.sync_copy(idx_hbm, idx_v)
            pltpu.async_copy(emb_hbm.at[idx_v], rows_v, sem).wait()
            pltpu.sync_copy(rows_v, out_hbm)

    return k(idx, emb)



def _chunk_copy(w2t_any, buf_s, sems, c, j):
    return pltpu.make_async_copy(
        w2t_any.at[pl.ds(c * _BN, _BN), :],
        buf_s.at[j],
        sems.at[j],
    )


def _dotT(hid, chunk):
    return lax.dot_general(hid, chunk, (((1,), (1,)), ((), ())),
                           preferred_element_type=jnp.float32)


def _mega_body(e_ref, w1_ref, b1_ref, b2_ref, w2t_any, out_ref,
               hid_s, out_s, buf_s, tail_s, sems, tail_sem):
    for j in range(_NBUF):
        _chunk_copy(w2t_any, buf_s, sems, j, j).start()
    pltpu.make_async_copy(
        w2t_any.at[pl.ds(_NC * _BN, _TAIL), :], tail_s, tail_sem).start()

    h = jnp.dot(e_ref[...], w1_ref[...], preferred_element_type=jnp.float32)
    hid_s[...] = jnp.maximum(h + b1_ref[...], 0.0)

    def step(s, carry):
        m0, s0 = carry
        for j in range(_NBUF):
            c = _NBUF * s + j
            _chunk_copy(w2t_any, buf_s, sems, c, j).wait()
            blk = _dotT(hid_s[...], buf_s[j])
            blk = blk + b2_ref[:, pl.ds(c * _BN, _BN)]
            out_s[:, pl.ds(c * _BN, _BN)] = blk
            m1 = jnp.maximum(m0, jnp.max(blk))
            s0 = s0 * jnp.exp(m0 - m1) + jnp.sum(jnp.exp(blk - m1))
            m0 = m1

            @pl.when(c + _NBUF < _NC)
            def _():
                _chunk_copy(w2t_any, buf_s, sems, c + _NBUF, j).start()
        return m0, s0

    m0, s0 = lax.fori_loop(
        0, _NSTEP, step, (jnp.float32(-jnp.inf), jnp.float32(0.0)))

    pltpu.make_async_copy(
        w2t_any.at[pl.ds(_NC * _BN, _TAIL), :], tail_s, tail_sem).wait()
    blk = _dotT(hid_s[...], tail_s[...])
    blk = blk + b2_ref[:, pl.ds(_NC * _BN, _TAIL)]
    out_s[:, pl.ds(_NC * _BN, _TAIL)] = blk
    m1 = jnp.maximum(m0, jnp.max(blk))
    s1 = s0 * jnp.exp(m0 - m1) + jnp.sum(jnp.exp(blk - m1))

    lse = m1 + jnp.log(s1)
    out_ref[...] = out_s[...] - lse


def _tc_mlp(embedded, W1, b1_row, W2T, b2_row):
    return pl.pallas_call(
        _mega_body,
        in_specs=[
            pl.BlockSpec(memory_space=pltpu.VMEM),
            pl.BlockSpec(memory_space=pltpu.VMEM),
            pl.BlockSpec(memory_space=pltpu.VMEM),
            pl.BlockSpec(memory_space=pltpu.VMEM),
            pl.BlockSpec(memory_space=pl.ANY),
        ],
        out_specs=pl.BlockSpec(memory_space=pltpu.VMEM),
        out_shape=jax.ShapeDtypeStruct((1, _VOCAB), jnp.float32),
        scratch_shapes=[
            pltpu.VMEM((1, _HID), jnp.float32),
            pltpu.VMEM((1, _VOCAB), jnp.float32),
            pltpu.VMEM((_NBUF, _BN, _HID), jnp.float32),
            pltpu.VMEM((_TAIL, _HID), jnp.float32),
            pltpu.SemaphoreType.DMA((_NBUF,)),
            pltpu.SemaphoreType.DMA,
        ],
    )(embedded, W1, b1_row, b2_row, W2T)



def kernel(inputs, emb, W1, b1, W2, b2):
    embedded = _sc_gather(inputs, emb).reshape(1, 2 * _CTX * _EMBD)
    return _tc_mlp(embedded, W1, b1.reshape(1, _HID), jnp.swapaxes(W2, 0, 1),
                   b2.reshape(1, _VOCAB))

# --- scband reference (transcript-rebuilt; emitter-appended) ---
"""Pipeline reference for scband-cbow-72730976190720 (READ-ONLY COPY).

The authoritative reference and input builder live on the scoring server;
editing this copy changes nothing except your own understanding.
"""

import jax, jax.numpy as jnp
import numpy as np

VOCAB = 100000
EMBD = 128
CTX = 10
HID = 512

def setup_inputs(seed: int = 0) -> dict:
    key = jax.random.key(seed)
    k1, k2, k3, k4, k5, k6 = jax.random.split(key, 6)
    inputs = jax.random.randint(k1, (2 * CTX,), 0, VOCAB, dtype=jnp.int64 if jax.config.jax_enable_x64 else jnp.int32).astype(jnp.int32)
    emb = jax.random.normal(k2, (VOCAB, EMBD), dtype=jnp.float32)
    W1 = jax.random.normal(k3, (2 * CTX * EMBD, HID), dtype=jnp.float32) * 0.02
    b1 = jnp.zeros((HID,), dtype=jnp.float32)
    W2 = jax.random.normal(k4, (HID, VOCAB), dtype=jnp.float32) * 0.02
    b2 = jnp.zeros((VOCAB,), dtype=jnp.float32)
    return {"inputs": inputs, "emb": emb, "W1": W1, "b1": b1, "W2": W2, "b2": b2}

def reference(inputs, emb, W1, b1, W2, b2):
    # embedding lookup -> gather
    embedded = jnp.take(emb, inputs, axis=0).reshape((1, -1))
    hid = jax.nn.relu(embedded @ W1 + b1)
    out = hid @ W2 + b2
    log_probs = jax.nn.log_softmax(out, axis=1)
    return log_probs

if __name__ == "__main__":
    import jax
    _d = setup_inputs()
    print(jax.jit(kernel)(*tuple(_d.values())))

</pallas_src>

<mosaic_0001>
#map = affine_map<(d0, d1) -> (0)>
#map1 = affine_map<(d0, d1) -> (0, 0)>
module attributes {stable_mosaic.version = 14 : i64} {
  func.func @k(%arg0: i32, %arg1: i32, %arg2: memref<20xi32, #tpu.memory_space<hbm>>, %arg3: memref<100000x128xf32, #tpu.memory_space<hbm>>, %arg4: memref<20x128xf32, #tpu.memory_space<hbm>>, %arg5: memref<20xi32, #tpu.memory_space<vmem>>, %arg6: memref<20x128xf32, #tpu.memory_space<vmem>>, %arg7: memref<!tpu.dma_semaphore, #tpu.memory_space<semaphore_mem>>) attributes {dimension_semantics = [#tpu.dimension_semantics<core_parallel>, #tpu.dimension_semantics<subcore_parallel>], iteration_bounds = array<i64: 2, 16>, scalar_prefetch = 0 : i64, scratch_operands = 3 : i64, tpu.core_type = #tpu.core_type<sc_vector_subcore>, window_params = [{transform_indices = #map}, {transform_indices = #map1}, {transform_indices = #map1}]} {
    %eq3A = arith.constant 0 : i32
    %eq3A_0 = arith.cmpi eq, %arg0, %eq3A : i32
    %eq3A_1 = arith.constant 0 : i32
    %eq3A_2 = arith.cmpi eq, %arg1, %eq3A_1 : i32
    %and3A = arith.andi %eq3A_0, %eq3A_2 : i1
    %convert_element_type3A = arith.extui %and3A : i1 to i32
    %cond3A = arith.constant 0 : i32
    %cond3A_3 = arith.cmpi ne, %convert_element_type3A, %cond3A : i32
    scf.if %cond3A_3 {
      "tpu.region"() ({
        %run_scoped3A = tpu.sem_alloc : memref<!tpu.dma_semaphore, #tpu.memory_space<semaphore_mem>>
        tpu.enqueue_dma source(%arg2 : memref<20xi32, #tpu.memory_space<hbm>>) target(%arg5 : memref<20xi32, #tpu.memory_space<vmem>>) target_semaphore(%run_scoped3A : memref<!tpu.dma_semaphore, #tpu.memory_space<semaphore_mem>>)
        tpu.wait_dma2 semaphore(%run_scoped3A : memref<!tpu.dma_semaphore, #tpu.memory_space<semaphore_mem>>) src(%arg2 : memref<20xi32, #tpu.memory_space<hbm>>) dst(%arg5 : memref<20xi32, #tpu.memory_space<vmem>>)
        tpu.yield
      }) : () -> ()
      %dma_start3A = arith.constant 0 : i32
      %dma_start3A_4 = arith.constant 0 : i32
      %dma_start3A_5 = tpu.memref_slice %arg3[%dma_start3A, %dma_start3A_4] : memref<100000x128xf32, #tpu.memory_space<hbm>> -> memref<100000x128xf32, #tpu.memory_space<hbm>>
      tpu.enqueue_indirect_dma source(%dma_start3A_5 : memref<100000x128xf32, #tpu.memory_space<hbm>>) target(%arg6 : memref<20x128xf32, #tpu.memory_space<vmem>>) offsets(%arg5 : memref<20xi32, #tpu.memory_space<vmem>>) semaphore(%arg7 : memref<!tpu.dma_semaphore, #tpu.memory_space<semaphore_mem>>)
      %dma_wait3A = arith.constant 0 : i32
      %dma_wait3A_6 = arith.constant 0 : i32
      %dma_wait3A_7 = tpu.memref_slice %arg3[%dma_wait3A, %dma_wait3A_6] : memref<100000x128xf32, #tpu.memory_space<hbm>> -> memref<100000x128xf32, #tpu.memory_space<hbm>>
      tpu.wait_indirect_dma semaphore(%arg7 : memref<!tpu.dma_semaphore, #tpu.memory_space<semaphore_mem>>) src(%dma_wait3A_7 : memref<100000x128xf32, #tpu.memory_space<hbm>>) dst(%arg6 : memref<20x128xf32, #tpu.memory_space<vmem>>)
      "tpu.region"() ({
        %run_scoped3A = tpu.sem_alloc : memref<!tpu.dma_semaphore, #tpu.memory_space<semaphore_mem>>
        tpu.enqueue_dma source(%arg6 : memref<20x128xf32, #tpu.memory_space<vmem>>) target(%arg4 : memref<20x128xf32, #tpu.memory_space<hbm>>) target_semaphore(%run_scoped3A : memref<!tpu.dma_semaphore, #tpu.memory_space<semaphore_mem>>)
        tpu.wait_dma2 semaphore(%run_scoped3A : memref<!tpu.dma_semaphore, #tpu.memory_space<semaphore_mem>>) src(%arg6 : memref<20x128xf32, #tpu.memory_space<vmem>>) dst(%arg4 : memref<20x128xf32, #tpu.memory_space<hbm>>)
        tpu.yield
      }) : () -> ()
    } else {
    }
    return
  }
}

module attributes {stable_mosaic.version = 14 : i64} {
  func.func @_mega_body(%arg0: memref<1x2560xf32, #tpu.memory_space<vmem>>, %arg1: memref<2560x512xf32, #tpu.memory_space<vmem>>, %arg2: memref<1x512xf32, #tpu.memory_space<vmem>>, %arg3: memref<1x100000xf32, #tpu.memory_space<vmem>>, %arg4: memref<100000x512xf32, #tpu.memory_space<any>>, %arg5: memref<1x100000xf32, #tpu.memory_space<vmem>>, %arg6: memref<1x512xf32, #tpu.memory_space<vmem>>, %arg7: memref<1x100000xf32, #tpu.memory_space<vmem>>, %arg8: memref<6x1280x512xf32, #tpu.memory_space<vmem>>, %arg9: memref<160x512xf32, #tpu.memory_space<vmem>>, %arg10: memref<6x!tpu.dma_semaphore, #tpu.memory_space<semaphore_mem>>, %arg11: memref<!tpu.dma_semaphore, #tpu.memory_space<semaphore_mem>>) attributes {dimension_semantics = [], scalar_prefetch = 0 : i64, scratch_operands = 6 : i64, tpu.core_type = #tpu.core_type<tc>} {
    %dma_start3A = arith.constant 0 : i32
    %dma_start3A_0 = arith.constant 0 : i32
    %dma_start3A_1 = tpu.memref_slice %arg10[%dma_start3A_0] : memref<6x!tpu.dma_semaphore, #tpu.memory_space<semaphore_mem>> -> memref<1x!tpu.dma_semaphore, #tpu.memory_space<semaphore_mem>>
    %dma_start3A_2 = tpu.memref_squeeze %dma_start3A_1 : memref<1x!tpu.dma_semaphore, #tpu.memory_space<semaphore_mem>> -> memref<!tpu.dma_semaphore, #tpu.memory_space<semaphore_mem>>
    %dma_start3A_3 = arith.constant 0 : i32
    %dma_start3A_4 = arith.constant 0 : i32
    %dma_start3A_5 = tpu.memref_slice %arg8[%dma_start3A, %dma_start3A_3, %dma_start3A_4] : memref<6x1280x512xf32, #tpu.memory_space<vmem>> -> memref<1x1280x512xf32, #tpu.memory_space<vmem>>
    %dma_start3A_6 = tpu.memref_squeeze %dma_start3A_5 : memref<1x1280x512xf32, #tpu.memory_space<vmem>> -> memref<1280x512xf32, #tpu.memory_space<vmem>>
    %dma_start3A_7 = arith.constant 0 : i32
    %dma_start3A_8 = arith.constant 0 : i32
    %dma_start3A_9 = tpu.memref_slice %arg4[%dma_start3A_7, %dma_start3A_8] : memref<100000x512xf32, #tpu.memory_space<any>> -> memref<1280x512xf32, #tpu.memory_space<any>>
    tpu.enqueue_dma source(%dma_start3A_9 : memref<1280x512xf32, #tpu.memory_space<any>>) target(%dma_start3A_6 : memref<1280x512xf32, #tpu.memory_space<vmem>>) target_semaphore(%dma_start3A_2 : memref<!tpu.dma_semaphore, #tpu.memory_space<semaphore_mem>>)
    %dma_start3A_10 = arith.constant 1 : i32
    %dma_start3A_11 = arith.constant 1 : i32
    %dma_start3A_12 = tpu.memref_slice %arg10[%dma_start3A_11] : memref<6x!tpu.dma_semaphore, #tpu.memory_space<semaphore_mem>> -> memref<1x!tpu.dma_semaphore, #tpu.memory_space<semaphore_mem>>
    %dma_start3A_13 = tpu.memref_squeeze %dma_start3A_12 : memref<1x!tpu.dma_semaphore, #tpu.memory_space<semaphore_mem>> -> memref<!tpu.dma_semaphore, #tpu.memory_space<semaphore_mem>>
    %dma_start3A_14 = arith.constant 0 : i32
    %dma_start3A_15 = arith.constant 0 : i32
    %dma_start3A_16 = tpu.memref_slice %arg8[%dma_start3A_10, %dma_start3A_14, %dma_start3A_15] : memref<6x1280x512xf32, #tpu.memory_space<vmem>> -> memref<1x1280x512xf32, #tpu.memory_space<vmem>>
    %dma_start3A_17 = tpu.memref_squeeze %dma_start3A_16 : memref<1x1280x512xf32, #tpu.memory_space<vmem>> -> memref<1280x512xf32, #tpu.memory_space<vmem>>
    %dma_start3A_18 = arith.constant 1280 : i32
    %dma_start3A_19 = arith.constant 0 : i32
    %dma_start3A_20 = tpu.memref_slice %arg4[%dma_start3A_18, %dma_start3A_19] : memref<100000x512xf32, #tpu.memory_space<any>> -> memref<1280x512xf32, #tpu.memory_space<any>>
    tpu.enqueue_dma source(%dma_start3A_20 : memref<1280x512xf32, #tpu.memory_space<any>>) target(%dma_start3A_17 : memref<1280x512xf32, #tpu.memory_space<vmem>>) target_semaphore(%dma_start3A_13 : memref<!tpu.dma_semaphore, #tpu.memory_space<semaphore_mem>>)
    %dma_start3A_21 = arith.constant 2 : i32
    %dma_start3A_22 = arith.constant 2 : i32
    %dma_start3A_23 = tpu.memref_slice %arg10[%dma_start3A_22] : memref<6x!tpu.dma_semaphore, #tpu.memory_space<semaphore_mem>> -> memref<1x!tpu.dma_semaphore, #tpu.memory_space<semaphore_mem>>
    %dma_start3A_24 = tpu.memref_squeeze %dma_start3A_23 : memref<1x!tpu.dma_semaphore, #tpu.memory_space<semaphore_mem>> -> memref<!tpu.dma_semaphore, #tpu.memory_space<semaphore_mem>>
    %dma_start3A_25 = arith.constant 0 : i32
    %dma_start3A_26 = arith.constant 0 : i32
    %dma_start3A_27 = tpu.memref_slice %arg8[%dma_start3A_21, %dma_start3A_25, %dma_start3A_26] : memref<6x1280x512xf32, #tpu.memory_space<vmem>> -> memref<1x1280x512xf32, #tpu.memory_space<vmem>>
    %dma_start3A_28 = tpu.memref_squeeze %dma_start3A_27 : memref<1x1280x512xf32, #tpu.memory_space<vmem>> -> memref<1280x512xf32, #tpu.memory_space<vmem>>
    %dma_start3A_29 = arith.constant 2560 : i32
    %dma_start3A_30 = arith.constant 0 : i32
    %dma_start3A_31 = tpu.memref_slice %arg4[%dma_start3A_29, %dma_start3A_30] : memref<100000x512xf32, #tpu.memory_space<any>> -> memref<1280x512xf32, #tpu.memory_space<any>>
    tpu.enqueue_dma source(%dma_start3A_31 : memref<1280x512xf32, #tpu.memory_space<any>>) target(%dma_start3A_28 : memref<1280x512xf32, #tpu.memory_space<vmem>>) target_semaphore(%dma_start3A_24 : memref<!tpu.dma_semaphore, #tpu.memory_space<semaphore_mem>>)
    %dma_start3A_32 = arith.constant 3 : i32
    %dma_start3A_33 = arith.constant 3 : i32
    %dma_start3A_34 = tpu.memref_slice %arg10[%dma_start3A_33] : memref<6x!tpu.dma_semaphore, #tpu.memory_space<semaphore_mem>> -> memref<1x!tpu.dma_semaphore, #tpu.memory_space<semaphore_mem>>
    %dma_start3A_35 = tpu.memref_squeeze %dma_start3A_34 : memref<1x!tpu.dma_semaphore, #tpu.memory_space<semaphore_mem>> -> memref<!tpu.dma_semaphore, #tpu.memory_space<semaphore_mem>>
    %dma_start3A_36 = arith.constant 0 : i32
    %dma_start3A_37 = arith.constant 0 : i32
    %dma_start3A_38 = tpu.memref_slice %arg8[%dma_start3A_32, %dma_start3A_36, %dma_start3A_37] : memref<6x1280x512xf32, #tpu.memory_space<vmem>> -> memref<1x1280x512xf32, #tpu.memory_space<vmem>>
    %dma_start3A_39 = tpu.memref_squeeze %dma_start3A_38 : memref<1x1280x512xf32, #tpu.memory_space<vmem>> -> memref<1280x512xf32, #tpu.memory_space<vmem>>
    %dma_start3A_40 = arith.constant 3840 : i32
    %dma_start3A_41 = arith.constant 0 : i32
    %dma_start3A_42 = tpu.memref_slice %arg4[%dma_start3A_40, %dma_start3A_41] : memref<100000x512xf32, #tpu.memory_space<any>> -> memref<1280x512xf32, #tpu.memory_space<any>>
    tpu.enqueue_dma source(%dma_start3A_42 : memref<1280x512xf32, #tpu.memory_space<any>>) target(%dma_start3A_39 : memref<1280x512xf32, #tpu.memory_space<vmem>>) target_semaphore(%dma_start3A_35 : memref<!tpu.dma_semaphore, #tpu.memory_space<semaphore_mem>>)
    %dma_start3A_43 = arith.constant 4 : i32
    %dma_start3A_44 = arith.constant 4 : i32
    %dma_start3A_45 = tpu.memref_slice %arg10[%dma_start3A_44] : memref<6x!tpu.dma_semaphore, #tpu.memory_space<semaphore_mem>> -> memref<1x!tpu.dma_semaphore, #tpu.memory_space<semaphore_mem>>
    %dma_start3A_46 = tpu.memref_squeeze %dma_start3A_45 : memref<1x!tpu.dma_semaphore, #tpu.memory_space<semaphore_mem>> -> memref<!tpu.dma_semaphore, #tpu.memory_space<semaphore_mem>>
    %dma_start3A_47 = arith.constant 0 : i32
    %dma_start3A_48 = arith.constant 0 : i32
    %dma_start3A_49 = tpu.memref_slice %arg8[%dma_start3A_43, %dma_start3A_47, %dma_start3A_48] : memref<6x1280x512xf32, #tpu.memory_space<vmem>> -> memref<1x1280x512xf32, #tpu.memory_space<vmem>>
    %dma_start3A_50 = tpu.memref_squeeze %dma_start3A_49 : memref<1x1280x512xf32, #tpu.memory_space<vmem>> -> memref<1280x512xf32, #tpu.memory_space<vmem>>
    %dma_start3A_51 = arith.constant 5120 : i32
    %dma_start3A_52 = arith.constant 0 : i32
    %dma_start3A_53 = tpu.memref_slice %arg4[%dma_start3A_51, %dma_start3A_52] : memref<100000x512xf32, #tpu.memory_space<any>> -> memref<1280x512xf32, #tpu.memory_space<any>>
    tpu.enqueue_dma source(%dma_start3A_53 : memref<1280x512xf32, #tpu.memory_space<any>>) target(%dma_start3A_50 : memref<1280x512xf32, #tpu.memory_space<vmem>>) target_semaphore(%dma_start3A_46 : memref<!tpu.dma_semaphore, #tpu.memory_space<semaphore_mem>>)
    %dma_start3A_54 = arith.constant 5 : i32
    %dma_start3A_55 = arith.constant 5 : i32
    %dma_start3A_56 = tpu.memref_slice %arg10[%dma_start3A_55] : memref<6x!tpu.dma_semaphore, #tpu.memory_space<semaphore_mem>> -> memref<1x!tpu.dma_semaphore, #tpu.memory_space<semaphore_mem>>
    %dma_start3A_57 = tpu.memref_squeeze %dma_start3A_56 : memref<1x!tpu.dma_semaphore, #tpu.memory_space<semaphore_mem>> -> memref<!tpu.dma_semaphore, #tpu.memory_space<semaphore_mem>>
    %dma_start3A_58 = arith.constant 0 : i32
    %dma_start3A_59 = arith.constant 0 : i32
    %dma_start3A_60 = tpu.memref_slice %arg8[%dma_start3A_54, %dma_start3A_58, %dma_start3A_59] : memref<6x1280x512xf32, #tpu.memory_space<vmem>> -> memref<1x1280x512xf32, #tpu.memory_space<vmem>>
    %dma_start3A_61 = tpu.memref_squeeze %dma_start3A_60 : memref<1x1280x512xf32, #tpu.memory_space<vmem>> -> memref<1280x512xf32, #tpu.memory_space<vmem>>
    %dma_start3A_62 = arith.constant 6400 : i32
    %dma_start3A_63 = arith.constant 0 : i32
    %dma_start3A_64 = tpu.memref_slice %arg4[%dma_start3A_62, %dma_start3A_63] : memref<100000x512xf32, #tpu.memory_space<any>> -> memref<1280x512xf32, #tpu.memory_space<any>>
    tpu.enqueue_dma source(%dma_start3A_64 : memref<1280x512xf32, #tpu.memory_space<any>>) target(%dma_start3A_61 : memref<1280x512xf32, #tpu.memory_space<vmem>>) target_semaphore(%dma_start3A_57 : memref<!tpu.dma_semaphore, #tpu.memory_space<semaphore_mem>>)
    %dma_start3A_65 = arith.constant 99840 : i32
    %dma_start3A_66 = arith.constant 0 : i32
    %dma_start3A_67 = tpu.memref_slice %arg4[%dma_start3A_65, %dma_start3A_66] : memref<100000x512xf32, #tpu.memory_space<any>> -> memref<160x512xf32, #tpu.memory_space<any>>
    tpu.enqueue_dma source(%dma_start3A_67 : memref<160x512xf32, #tpu.memory_space<any>>) target(%arg9 : memref<160x512xf32, #tpu.memory_space<vmem>>) target_semaphore(%arg11 : memref<!tpu.dma_semaphore, #tpu.memory_space<semaphore_mem>>)
    %get3A = arith.constant 0 : index
    %get3A_68 = arith.constant 0 : index
    %get3A_69 = vector.load %arg0[%get3A, %get3A_68] : memref<1x2560xf32, #tpu.memory_space<vmem>>, vector<1x2560xf32>
    %get3A_70 = arith.constant 0 : index
    %get3A_71 = arith.constant 0 : index
    %get3A_72 = vector.load %arg1[%get3A_70, %get3A_71] : memref<2560x512xf32, #tpu.memory_space<vmem>>, vector<2560x512xf32>
    %dot_general3A = arith.constant dense<0.000000e+00> : vector<1x512xf32>
    %dot_general3A_73 = tpu.matmul %get3A_69, %get3A_72, %dot_general3A {dimension_numbers = #tpu.dot_dimension_numbers<[1], [0], [0], [1], [0, 0, 1, 1], [], []>, transpose_lhs_hint = false} : vector<1x2560xf32>, vector<2560x512xf32>, vector<1x512xf32> -> vector<1x512xf32>
    %get3A_74 = arith.constant 0 : index
    %get3A_75 = arith.constant 0 : index
    %get3A_76 = vector.load %arg2[%get3A_74, %get3A_75] : memref<1x512xf32, #tpu.memory_space<vmem>>, vector<1x512xf32>
    %add3A = arith.addf %dot_general3A_73, %get3A_76 : vector<1x512xf32>
    %max3A = arith.constant 0.000000e+00 : f32
    %max3A_77 = vector.broadcast %max3A : f32 to vector<1x512xf32>
    %max3A_78 = arith.maximumf %add3A, %max3A_77 : vector<1x512xf32>
    %swap3A = arith.constant 0 : index
    %swap3A_79 = arith.constant 0 : index
    %swap3A_80 = vector.load %arg6[%swap3A, %swap3A_79] : memref<1x512xf32, #tpu.memory_space<vmem>>, vector<1x512xf32>
    tpu.vector_store %arg6[%swap3A, %swap3A_79], %max3A_78 {strides = array<i32>} : memref<1x512xf32, #tpu.memory_space<vmem>>, vector<1x512xf32>,
    %scan3A = arith.constant 0xFF800000 : f32
    %scan3A_81 = arith.constant 0.000000e+00 : f32
    %scan3A_82 = arith.constant 0 : i32
    %scan3A_83 = arith.constant 13 : i32
    %scan3A_84 = arith.addi %scan3A_82, %scan3A_83 : i32
    %scan3A_85 = arith.constant 1 : i32
    %scan3A_86:2 = scf.for %scan3A_127 = %scan3A_82 to %scan3A_84 step %scan3A_85 iter_args(%scan3A_128 = %scan3A, %scan3A_129 = %scan3A_81) -> (f32, f32)  : i32 {
      %mul3A_130 = arith.constant 6 : i32
      %mul3A_131 = arith.muli %mul3A_130, %scan3A_127 : i32
      %add3A_132 = arith.constant 0 : i32
      %add3A_133 = arith.addi %mul3A_131, %add3A_132 : i32
      %mul3A_134 = arith.constant 1280 : i32
      %mul3A_135 = arith.muli %add3A_133, %mul3A_134 : i32
      %dma_wait3A_136 = arith.constant 0 : i32
      %dma_wait3A_137 = arith.constant 0 : i32
      %dma_wait3A_138 = tpu.memref_slice %arg10[%dma_wait3A_137] : memref<6x!tpu.dma_semaphore, #tpu.memory_space<semaphore_mem>> -> memref<1x!tpu.dma_semaphore, #tpu.memory_space<semaphore_mem>>
      %dma_wait3A_139 = tpu.memref_squeeze %dma_wait3A_138 : memref<1x!tpu.dma_semaphore, #tpu.memory_space<semaphore_mem>> -> memref<!tpu.dma_semaphore, #tpu.memory_space<semaphore_mem>>
      %dma_wait3A_140 = arith.constant 0 : i32
      %dma_wait3A_141 = arith.constant 0 : i32
      %dma_wait3A_142 = tpu.memref_slice %arg8[%dma_wait3A_136, %dma_wait3A_140, %dma_wait3A_141] : memref<6x1280x512xf32, #tpu.memory_space<vmem>> -> memref<1x1280x512xf32, #tpu.memory_space<vmem>>
      %dma_wait3A_143 = tpu.memref_squeeze %dma_wait3A_142 : memref<1x1280x512xf32, #tpu.memory_space<vmem>> -> memref<1280x512xf32, #tpu.memory_space<vmem>>
      %dma_wait3A_144 = arith.constant 0 : i32
      %dma_wait3A_145 = tpu.memref_slice %arg4[%mul3A_135, %dma_wait3A_144] : memref<100000x512xf32, #tpu.memory_space<any>> -> memref<1280x512xf32, #tpu.memory_space<any>>
      tpu.wait_dma2 semaphore(%dma_wait3A_139 : memref<!tpu.dma_semaphore, #tpu.memory_space<semaphore_mem>>) src(%dma_wait3A_145 : memref<1280x512xf32, #tpu.memory_space<any>>) dst(%dma_wait3A_143 : memref<1280x512xf32, #tpu.memory_space<vmem>>)
      %get3A_146 = arith.constant 0 : index
      %get3A_147 = arith.constant 0 : index
      %get3A_148 = vector.load %arg6[%get3A_146, %get3A_147] : memref<1x512xf32, #tpu.memory_space<vmem>>, vector<1x512xf32>
      %get3A_149 = arith.constant 0 : index
      %get3A_150 = arith.constant 0 : index
      %get3A_151 = arith.constant 0 : index
      %get3A_152 = vector.load %arg8[%get3A_149, %get3A_150, %get3A_151] : memref<6x1280x512xf32, #tpu.memory_space<vmem>>, vector<1x1280x512xf32>
      %get3A_153 = vector.shape_cast %get3A_152 : vector<1x1280x512xf32> to vector<1280x512xf32>
      %dot_general3A_154 = arith.constant dense<0.000000e+00> : vector<1x1280xf32>
      %dot_general3A_155 = tpu.matmul %get3A_148, %get3A_153, %dot_general3A_154 {dimension_numbers = #tpu.dot_dimension_numbers<[1], [1], [0], [0], [0, 0, 1, 0], [], []>, transpose_lhs_hint = false} : vector<1x512xf32>, vector<1280x512xf32>, vector<1x1280xf32> -> vector<1x1280xf32>
      %mul3A_156 = arith.constant 1280 : i32
      %mul3A_157 = arith.muli %add3A_133, %mul3A_156 : i32
      %get3A_158 = arith.constant 0 : index
      %get3A_159 = arith.index_cast %mul3A_157 : i32 to index
      %get3A_160 = vector.load %arg3[%get3A_158, %get3A_159] : memref<1x100000xf32, #tpu.memory_space<vmem>>, vector<1x1280xf32>
      %add3A_161 = arith.addf %dot_general3A_155, %get3A_160 : vector<1x1280xf32>
      %mul3A_162 = arith.constant 1280 : i32
      %mul3A_163 = arith.muli %add3A_133, %mul3A_162 : i32
      %swap3A_164 = arith.constant 0 : index
      %swap3A_165 = arith.index_cast %mul3A_163 : i32 to index
      %swap3A_166 = vector.load %arg7[%swap3A_164, %swap3A_165] : memref<1x100000xf32, #tpu.memory_space<vmem>>, vector<1x1280xf32>
      tpu.vector_store %arg7[%swap3A_164, %swap3A_165], %add3A_161 {strides = array<i32>} : memref<1x100000xf32, #tpu.memory_space<vmem>>, vector<1x1280xf32>,
      %reduce_max3A_167 = vector.shape_cast %add3A_161 : vector<1x1280xf32> to vector<1x1x1280xf32>
      %reduce_max3A_168 = arith.constant dense<0xFF800000> : vector<1xf32>
      %reduce_max3A_169 = vector.multi_reduction <maximumf>, %reduce_max3A_167, %reduce_max3A_168 [1, 2] : vector<1x1x1280xf32> to vector<1xf32>
      %reduce_max3A_170 = vector.shape_cast %reduce_max3A_169 : vector<1xf32> to vector<1x1x1xf32>
      %reduce_max3A_171 = vector.extract %reduce_max3A_170[0, 0, 0] : f32 from vector<1x1x1xf32>
      %max3A_172 = arith.maximumf %scan3A_128, %reduce_max3A_171 : f32
      %sub3A_173 = arith.subf %scan3A_128, %max3A_172 : f32
      %exp3A_174 = math.exp %sub3A_173 : f32
      %mul3A_175 = arith.mulf %scan3A_129, %exp3A_174 : f32
      %sub3A_176 = vector.broadcast %max3A_172 : f32 to vector<1x1280xf32>
      %sub3A_177 = arith.subf %add3A_161, %sub3A_176 : vector<1x1280xf32>
      %exp3A_178 = math.exp %sub3A_177 : vector<1x1280xf32>
      %reduce_sum3A_179 = vector.shape_cast %exp3A_178 : vector<1x1280xf32> to vector<1x1x1280xf32>
      %reduce_sum3A_180 = arith.constant dense<0.000000e+00> : vector<1xf32>
      %reduce_sum3A_181 = vector.multi_reduction <add>, %reduce_sum3A_179, %reduce_sum3A_180 [1, 2] : vector<1x1x1280xf32> to vector<1xf32>
      %reduce_sum3A_182 = vector.shape_cast %reduce_sum3A_181 : vector<1xf32> to vector<1x1x1xf32>
      %reduce_sum3A_183 = vector.extract %reduce_sum3A_182[0, 0, 0] : f32 from vector<1x1x1xf32>
      %add3A_184 = arith.addf %mul3A_175, %reduce_sum3A_183 : f32
      %add3A_185 = arith.constant 6 : i32
      %add3A_186 = arith.addi %add3A_133, %add3A_185 : i32
      %lt3A = arith.constant 78 : i32
      %lt3A_187 = arith.cmpi slt, %add3A_186, %lt3A : i32
      %convert_element_type3A = arith.extui %lt3A_187 : i1 to i32
      %cond3A = arith.constant 0 : i32
      %cond3A_188 = arith.cmpi ne, %convert_element_type3A, %cond3A : i32
      scf.if %cond3A_188 {
        %add3A_499 = arith.constant 6 : i32
        %add3A_500 = arith.addi %add3A_133, %add3A_499 : i32
        %mul3A_501 = arith.constant 1280 : i32
        %mul3A_502 = arith.muli %add3A_500, %mul3A_501 : i32
        %dma_start3A_503 = arith.constant 0 : i32
        %dma_start3A_504 = arith.constant 0 : i32
        %dma_start3A_505 = tpu.memref_slice %arg10[%dma_start3A_504] : memref<6x!tpu.dma_semaphore, #tpu.memory_space<semaphore_mem>> -> memref<1x!tpu.dma_semaphore, #tpu.memory_space<semaphore_mem>>
        %dma_start3A_506 = tpu.memref_squeeze %dma_start3A_505 : memref<1x!tpu.dma_semaphore, #tpu.memory_space<semaphore_mem>> -> memref<!tpu.dma_semaphore, #tpu.memory_space<semaphore_mem>>
        %dma_start3A_507 = arith.constant 0 : i32
        %dma_start3A_508 = arith.constant 0 : i32
        %dma_start3A_509 = tpu.memref_slice %arg8[%dma_start3A_503, %dma_start3A_507, %dma_start3A_508] : memref<6x1280x512xf32, #tpu.memory_space<vmem>> -> memref<1x1280x512xf32, #tpu.memory_space<vmem>>
        %dma_start3A_510 = tpu.memref_squeeze %dma_start3A_509 : memref<1x1280x512xf32, #tpu.memory_space<vmem>> -> memref<1280x512xf32, #tpu.memory_space<vmem>>
        %dma_start3A_511 = arith.constant 0 : i32
        %dma_start3A_512 = tpu.memref_slice %arg4[%mul3A_502, %dma_start3A_511] : memref<100000x512xf32, #tpu.memory_space<any>> -> memref<1280x512xf32, #tpu.memory_space<any>>
        tpu.enqueue_dma source(%dma_start3A_512 : memref<1280x512xf32, #tpu.memory_space<any>>) target(%dma_start3A_510 : memref<1280x512xf32, #tpu.memory_space<vmem>>) target_semaphore(%dma_start3A_506 : memref<!tpu.dma_semaphore, #tpu.memory_space<semaphore_mem>>)
      } else {
      }
      %mul3A_189 = arith.constant 6 : i32
      %mul3A_190 = arith.muli %mul3A_189, %scan3A_127 : i32
      %add3A_191 = arith.constant 1 : i32
      %add3A_192 = arith.addi %mul3A_190, %add3A_191 : i32
      %mul3A_193 = arith.constant 1280 : i32
      %mul3A_194 = arith.muli %add3A_192, %mul3A_193 : i32
      %dma_wait3A_195 = arith.constant 1 : i32
      %dma_wait3A_196 = arith.constant 1 : i32
      %dma_wait3A_197 = tpu.memref_slice %arg10[%dma_wait3A_196] : memref<6x!tpu.dma_semaphore, #tpu.memory_space<semaphore_mem>> -> memref<1x!tpu.dma_semaphore, #tpu.memory_space<semaphore_mem>>
      %dma_wait3A_198 = tpu.memref_squeeze %dma_wait3A_197 : memref<1x!tpu.dma_semaphore, #tpu.memory_space<semaphore_mem>> -> memref<!tpu.dma_semaphore, #tpu.memory_space<semaphore_mem>>
      %dma_wait3A_199 = arith.constant 0 : i32
      %dma_wait3A_200 = arith.constant 0 : i32
      %dma_wait3A_201 = tpu.memref_slice %arg8[%dma_wait3A_195, %dma_wait3A_199, %dma_wait3A_200] : memref<6x1280x512xf32, #tpu.memory_space<vmem>> -> memref<1x1280x512xf32, #tpu.memory_space<vmem>>
      %dma_wait3A_202 = tpu.memref_squeeze %dma_wait3A_201 : memref<1x1280x512xf32, #tpu.memory_space<vmem>> -> memref<1280x512xf32, #tpu.memory_space<vmem>>
      %dma_wait3A_203 = arith.constant 0 : i32
      %dma_wait3A_204 = tpu.memref_slice %arg4[%mul3A_194, %dma_wait3A_203] : memref<100000x512xf32, #tpu.memory_space<any>> -> memref<1280x512xf32, #tpu.memory_space<any>>
      tpu.wait_dma2 semaphore(%dma_wait3A_198 : memref<!tpu.dma_semaphore, #tpu.memory_space<semaphore_mem>>) src(%dma_wait3A_204 : memref<1280x512xf32, #tpu.memory_space<any>>) dst(%dma_wait3A_202 : memref<1280x512xf32, #tpu.memory_space<vmem>>)
      %get3A_205 = arith.constant 0 : index
      %get3A_206 = arith.constant 0 : index
      %get3A_207 = vector.load %arg6[%get3A_205, %get3A_206] : memref<1x512xf32, #tpu.memory_space<vmem>>, vector<1x512xf32>
      %get3A_208 = arith.constant 1 : index
      %get3A_209 = arith.constant 0 : index
      %get3A_210 = arith.constant 0 : index
      %get3A_211 = vector.load %arg8[%get3A_208, %get3A_209, %get3A_210] : memref<6x1280x512xf32, #tpu.memory_space<vmem>>, vector<1x1280x512xf32>
      %get3A_212 = vector.shape_cast %get3A_211 : vector<1x1280x512xf32> to vector<1280x512xf32>
      %dot_general3A_213 = arith.constant dense<0.000000e+00> : vector<1x1280xf32>
      %dot_general3A_214 = tpu.matmul %get3A_207, %get3A_212, %dot_general3A_213 {dimension_numbers = #tpu.dot_dimension_numbers<[1], [1], [0], [0], [0, 0, 1, 0], [], []>, transpose_lhs_hint = false} : vector<1x512xf32>, vector<1280x512xf32>, vector<1x1280xf32> -> vector<1x1280xf32>
      %mul3A_215 = arith.constant 1280 : i32
      %mul3A_216 = arith.muli %add3A_192, %mul3A_215 : i32
      %get3A_217 = arith.constant 0 : index
      %get3A_218 = arith.index_cast %mul3A_216 : i32 to index
      %get3A_219 = vector.load %arg3[%get3A_217, %get3A_218] : memref<1x100000xf32, #tpu.memory_space<vmem>>, vector<1x1280xf32>
      %add3A_220 = arith.addf %dot_general3A_214, %get3A_219 : vector<1x1280xf32>
      %mul3A_221 = arith.constant 1280 : i32
      %mul3A_222 = arith.muli %add3A_192, %mul3A_221 : i32
      %swap3A_223 = arith.constant 0 : index
      %swap3A_224 = arith.index_cast %mul3A_222 : i32 to index
      %swap3A_225 = vector.load %arg7[%swap3A_223, %swap3A_224] : memref<1x100000xf32, #tpu.memory_space<vmem>>, vector<1x1280xf32>
      tpu.vector_store %arg7[%swap3A_223, %swap3A_224], %add3A_220 {strides = array<i32>} : memref<1x100000xf32, #tpu.memory_space<vmem>>, vector<1x1280xf32>,
      %reduce_max3A_226 = vector.shape_cast %add3A_220 : vector<1x1280xf32> to vector<1x1x1280xf32>
      %reduce_max3A_227 = arith.constant dense<0xFF800000> : vector<1xf32>
      %reduce_max3A_228 = vector.multi_reduction <maximumf>, %reduce_max3A_226, %reduce_max3A_227 [1, 2] : vector<1x1x1280xf32> to vector<1xf32>
      %reduce_max3A_229 = vector.shape_cast %reduce_max3A_228 : vector<1xf32> to vector<1x1x1xf32>
      %reduce_max3A_230 = vector.extract %reduce_max3A_229[0, 0, 0] : f32 from vector<1x1x1xf32>
      %max3A_231 = arith.maximumf %max3A_172, %reduce_max3A_230 : f32
      %sub3A_232 = arith.subf %max3A_172, %max3A_231 : f32
      %exp3A_233 = math.exp %sub3A_232 : f32
      %mul3A_234 = arith.mulf %add3A_184, %exp3A_233 : f32
      %sub3A_235 = vector.broadcast %max3A_231 : f32 to vector<1x1280xf32>
      %sub3A_236 = arith.subf %add3A_220, %sub3A_235 : vector<1x1280xf32>
      %exp3A_237 = math.exp %sub3A_236 : vector<1x1280xf32>
      %reduce_sum3A_238 = vector.shape_cast %exp3A_237 : vector<1x1280xf32> to vector<1x1x1280xf32>
      %reduce_sum3A_239 = arith.constant dense<0.000000e+00> : vector<1xf32>
      %reduce_sum3A_240 = vector.multi_reduction <add>, %reduce_sum3A_238, %reduce_sum3A_239 [1, 2] : vector<1x1x1280xf32> to vector<1xf32>
      %reduce_sum3A_241 = vector.shape_cast %reduce_sum3A_240 : vector<1xf32> to vector<1x1x1xf32>
      %reduce_sum3A_242 = vector.extract %reduce_sum3A_241[0, 0, 0] : f32 from vector<1x1x1xf32>
      %add3A_243 = arith.addf %mul3A_234, %reduce_sum3A_242 : f32
      %add3A_244 = arith.constant 6 : i32
      %add3A_245 = arith.addi %add3A_192, %add3A_244 : i32
      %lt3A_246 = arith.constant 78 : i32
      %lt3A_247 = arith.cmpi slt, %add3A_245, %lt3A_246 : i32
      %convert_element_type3A_248 = arith.extui %lt3A_247 : i1 to i32
      %cond3A_249 = arith.constant 0 : i32
      %cond3A_250 = arith.cmpi ne, %convert_element_type3A_248, %cond3A_249 : i32
      scf.if %cond3A_250 {
        %add3A_499 = arith.constant 6 : i32
        %add3A_500 = arith.addi %add3A_192, %add3A_499 : i32
        %mul3A_501 = arith.constant 1280 : i32
        %mul3A_502 = arith.muli %add3A_500, %mul3A_501 : i32
        %dma_start3A_503 = arith.constant 1 : i32
        %dma_start3A_504 = arith.constant 1 : i32
        %dma_start3A_505 = tpu.memref_slice %arg10[%dma_start3A_504] : memref<6x!tpu.dma_semaphore, #tpu.memory_space<semaphore_mem>> -> memref<1x!tpu.dma_semaphore, #tpu.memory_space<semaphore_mem>>
        %dma_start3A_506 = tpu.memref_squeeze %dma_start3A_505 : memref<1x!tpu.dma_semaphore, #tpu.memory_space<semaphore_mem>> -> memref<!tpu.dma_semaphore, #tpu.memory_space<semaphore_mem>>
        %dma_start3A_507 = arith.constant 0 : i32
        %dma_start3A_508 = arith.constant 0 : i32
        %dma_start3A_509 = tpu.memref_slice %arg8[%dma_start3A_503, %dma_start3A_507, %dma_start3A_508] : memref<6x1280x512xf32, #tpu.memory_space<vmem>> -> memref<1x1280x512xf32, #tpu.memory_space<vmem>>
        %dma_start3A_510 = tpu.memref_squeeze %dma_start3A_509 : memref<1x1280x512xf32, #tpu.memory_space<vmem>> -> memref<1280x512xf32, #tpu.memory_space<vmem>>
        %dma_start3A_511 = arith.constant 0 : i32
        %dma_start3A_512 = tpu.memref_slice %arg4[%mul3A_502, %dma_start3A_511] : memref<100000x512xf32, #tpu.memory_space<any>> -> memref<1280x512xf32, #tpu.memory_space<any>>
        tpu.enqueue_dma source(%dma_start3A_512 : memref<1280x512xf32, #tpu.memory_space<any>>) target(%dma_start3A_510 : memref<1280x512xf32, #tpu.memory_space<vmem>>) target_semaphore(%dma_start3A_506 : memref<!tpu.dma_semaphore, #tpu.memory_space<semaphore_mem>>)
      } else {
      }
      %mul3A_251 = arith.constant 6 : i32
      %mul3A_252 = arith.muli %mul3A_251, %scan3A_127 : i32
      %add3A_253 = arith.constant 2 : i32
      %add3A_254 = arith.addi %mul3A_252, %add3A_253 : i32
      %mul3A_255 = arith.constant 1280 : i32
      %mul3A_256 = arith.muli %add3A_254, %mul3A_255 : i32
      %dma_wait3A_257 = arith.constant 2 : i32
      %dma_wait3A_258 = arith.constant 2 : i32
      %dma_wait3A_259 = tpu.memref_slice %arg10[%dma_wait3A_258] : memref<6x!tpu.dma_semaphore, #tpu.memory_space<semaphore_mem>> -> memref<1x!tpu.dma_semaphore, #tpu.memory_space<semaphore_mem>>
      %dma_wait3A_260 = tpu.memref_squeeze %dma_wait3A_259 : memref<1x!tpu.dma_semaphore, #tpu.memory_space<semaphore_mem>> -> memref<!tpu.dma_semaphore, #tpu.memory_space<semaphore_mem>>
      %dma_wait3A_261 = arith.constant 0 : i32
      %dma_wait3A_262 = arith.constant 0 : i32
      %dma_wait3A_263 = tpu.memref_slice %arg8[%dma_wait3A_257, %dma_wait3A_261, %dma_wait3A_262] : memref<6x1280x512xf32, #tpu.memory_space<vmem>> -> memref<1x1280x512xf32, #tpu.memory_space<vmem>>
      %dma_wait3A_264 = tpu.memref_squeeze %dma_wait3A_263 : memref<1x1280x512xf32, #tpu.memory_space<vmem>> -> memref<1280x512xf32, #tpu.memory_space<vmem>>
      %dma_wait3A_265 = arith.constant 0 : i32
      %dma_wait3A_266 = tpu.memref_slice %arg4[%mul3A_256, %dma_wait3A_265] : memref<100000x512xf32, #tpu.memory_space<any>> -> memref<1280x512xf32, #tpu.memory_space<any>>
      tpu.wait_dma2 semaphore(%dma_wait3A_260 : memref<!tpu.dma_semaphore, #tpu.memory_space<semaphore_mem>>) src(%dma_wait3A_266 : memref<1280x512xf32, #tpu.memory_space<any>>) dst(%dma_wait3A_264 : memref<1280x512xf32, #tpu.memory_space<vmem>>)
      %get3A_267 = arith.constant 0 : index
      %get3A_268 = arith.constant 0 : index
      %get3A_269 = vector.load %arg6[%get3A_267, %get3A_268] : memref<1x512xf32, #tpu.memory_space<vmem>>, vector<1x512xf32>
      %get3A_270 = arith.constant 2 : index
      %get3A_271 = arith.constant 0 : index
      %get3A_272 = arith.constant 0 : index
      %get3A_273 = vector.load %arg8[%get3A_270, %get3A_271, %get3A_272] : memref<6x1280x512xf32, #tpu.memory_space<vmem>>, vector<1x1280x512xf32>
      %get3A_274 = vector.shape_cast %get3A_273 : vector<1x1280x512xf32> to vector<1280x512xf32>
      %dot_general3A_275 = arith.constant dense<0.000000e+00> : vector<1x1280xf32>
      %dot_general3A_276 = tpu.matmul %get3A_269, %get3A_274, %dot_general3A_275 {dimension_numbers = #tpu.dot_dimension_numbers<[1], [1], [0], [0], [0, 0, 1, 0], [], []>, transpose_lhs_hint = false} : vector<1x512xf32>, vector<1280x512xf32>, vector<1x1280xf32> -> vector<1x1280xf32>
      %mul3A_277 = arith.constant 1280 : i32
      %mul3A_278 = arith.muli %add3A_254, %mul3A_277 : i32
      %get3A_279 = arith.constant 0 : index
      %get3A_280 = arith.index_cast %mul3A_278 : i32 to index
      %get3A_281 = vector.load %arg3[%get3A_279, %get3A_280] : memref<1x100000xf32, #tpu.memory_space<vmem>>, vector<1x1280xf32>
      %add3A_282 = arith.addf %dot_general3A_276, %get3A_281 : vector<1x1280xf32>
      %mul3A_283 = arith.constant 1280 : i32
      %mul3A_284 = arith.muli %add3A_254, %mul3A_283 : i32
      %swap3A_285 = arith.constant 0 : index
      %swap3A_286 = arith.index_cast %mul3A_284 : i32 to index
      %swap3A_287 = vector.load %arg7[%swap3A_285, %swap3A_286] : memref<1x100000xf32, #tpu.memory_space<vmem>>, vector<1x1280xf32>
      tpu.vector_store %arg7[%swap3A_285, %swap3A_286], %add3A_282 {strides = array<i32>} : memref<1x100000xf32, #tpu.memory_space<vmem>>, vector<1x1280xf32>,
      %reduce_max3A_288 = vector.shape_cast %add3A_282 : vector<1x1280xf32> to vector<1x1x1280xf32>
      %reduce_max3A_289 = arith.constant dense<0xFF800000> : vector<1xf32>
      %reduce_max3A_290 = vector.multi_reduction <maximumf>, %reduce_max3A_288, %reduce_max3A_289 [1, 2] : vector<1x1x1280xf32> to vector<1xf32>
      %reduce_max3A_291 = vector.shape_cast %reduce_max3A_290 : vector<1xf32> to vector<1x1x1xf32>
      %reduce_max3A_292 = vector.extract %reduce_max3A_291[0, 0, 0] : f32 from vector<1x1x1xf32>
      %max3A_293 = arith.maximumf %max3A_231, %reduce_max3A_292 : f32
      %sub3A_294 = arith.subf %max3A_231, %max3A_293 : f32
      %exp3A_295 = math.exp %sub3A_294 : f32
      %mul3A_296 = arith.mulf %add3A_243, %exp3A_295 : f32
      %sub3A_297 = vector.broadcast %max3A_293 : f32 to vector<1x1280xf32>
      %sub3A_298 = arith.subf %add3A_282, %sub3A_297 : vector<1x1280xf32>
      %exp3A_299 = math.exp %sub3A_298 : vector<1x1280xf32>
      %reduce_sum3A_300 = vector.shape_cast %exp3A_299 : vector<1x1280xf32> to vector<1x1x1280xf32>
      %reduce_sum3A_301 = arith.constant dense<0.000000e+00> : vector<1xf32>
      %reduce_sum3A_302 = vector.multi_reduction <add>, %reduce_sum3A_300, %reduce_sum3A_301 [1, 2] : vector<1x1x1280xf32> to vector<1xf32>
      %reduce_sum3A_303 = vector.shape_cast %reduce_sum3A_302 : vector<1xf32> to vector<1x1x1xf32>
      %reduce_sum3A_304 = vector.extract %reduce_sum3A_303[0, 0, 0] : f32 from vector<1x1x1xf32>
      %add3A_305 = arith.addf %mul3A_296, %reduce_sum3A_304 : f32
      %add3A_306 = arith.constant 6 : i32
      %add3A_307 = arith.addi %add3A_254, %add3A_306 : i32
      %lt3A_308 = arith.constant 78 : i32
      %lt3A_309 = arith.cmpi slt, %add3A_307, %lt3A_308 : i32
      %convert_element_type3A_310 = arith.extui %lt3A_309 : i1 to i32
      %cond3A_311 = arith.constant 0 : i32
      %cond3A_312 = arith.cmpi ne, %convert_element_type3A_310, %cond3A_311 : i32
      scf.if %cond3A_312 {
        %add3A_499 = arith.constant 6 : i32
        %add3A_500 = arith.addi %add3A_254, %add3A_499 : i32
        %mul3A_501 = arith.constant 1280 : i32
        %mul3A_502 = arith.muli %add3A_500, %mul3A_501 : i32
        %dma_start3A_503 = arith.constant 2 : i32
        %dma_start3A_504 = arith.constant 2 : i32
        %dma_start3A_505 = tpu.memref_slice %arg10[%dma_start3A_504] : memref<6x!tpu.dma_semaphore, #tpu.memory_space<semaphore_mem>> -> memref<1x!tpu.dma_semaphore, #tpu.memory_space<semaphore_mem>>
        %dma_start3A_506 = tpu.memref_squeeze %dma_start3A_505 : memref<1x!tpu.dma_semaphore, #tpu.memory_space<semaphore_mem>> -> memref<!tpu.dma_semaphore, #tpu.memory_space<semaphore_mem>>
        %dma_start3A_507 = arith.constant 0 : i32
        %dma_start3A_508 = arith.constant 0 : i32
        %dma_start3A_509 = tpu.memref_slice %arg8[%dma_start3A_503, %dma_start3A_507, %dma_start3A_508] : memref<6x1280x512xf32, #tpu.memory_space<vmem>> -> memref<1x1280x512xf32, #tpu.memory_space<vmem>>
        %dma_start3A_510 = tpu.memref_squeeze %dma_start3A_509 : memref<1x1280x512xf32, #tpu.memory_space<vmem>> -> memref<1280x512xf32, #tpu.memory_space<vmem>>
        %dma_start3A_511 = arith.constant 0 : i32
        %dma_start3A_512 = tpu.memref_slice %arg4[%mul3A_502, %dma_start3A_511] : memref<100000x512xf32, #tpu.memory_space<any>> -> memref<1280x512xf32, #tpu.memory_space<any>>
        tpu.enqueue_dma source(%dma_start3A_512 : memref<1280x512xf32, #tpu.memory_space<any>>) target(%dma_start3A_510 : memref<1280x512xf32, #tpu.memory_space<vmem>>) target_semaphore(%dma_start3A_506 : memref<!tpu.dma_semaphore, #tpu.memory_space<semaphore_mem>>)
      } else {
      }
      %mul3A_313 = arith.constant 6 : i32
      %mul3A_314 = arith.muli %mul3A_313, %scan3A_127 : i32
      %add3A_315 = arith.constant 3 : i32
      %add3A_316 = arith.addi %mul3A_314, %add3A_315 : i32
      %mul3A_317 = arith.constant 1280 : i32
      %mul3A_318 = arith.muli %add3A_316, %mul3A_317 : i32
      %dma_wait3A_319 = arith.constant 3 : i32
      %dma_wait3A_320 = arith.constant 3 : i32
      %dma_wait3A_321 = tpu.memref_slice %arg10[%dma_wait3A_320] : memref<6x!tpu.dma_semaphore, #tpu.memory_space<semaphore_mem>> -> memref<1x!tpu.dma_semaphore, #tpu.memory_space<semaphore_mem>>
      %dma_wait3A_322 = tpu.memref_squeeze %dma_wait3A_321 : memref<1x!tpu.dma_semaphore, #tpu.memory_space<semaphore_mem>> -> memref<!tpu.dma_semaphore, #tpu.memory_space<semaphore_mem>>
      %dma_wait3A_323 = arith.constant 0 : i32
      %dma_wait3A_324 = arith.constant 0 : i32
      %dma_wait3A_325 = tpu.memref_slice %arg8[%dma_wait3A_319, %dma_wait3A_323, %dma_wait3A_324] : memref<6x1280x512xf32, #tpu.memory_space<vmem>> -> memref<1x1280x512xf32, #tpu.memory_space<vmem>>
      %dma_wait3A_326 = tpu.memref_squeeze %dma_wait3A_325 : memref<1x1280x512xf32, #tpu.memory_space<vmem>> -> memref<1280x512xf32, #tpu.memory_space<vmem>>
      %dma_wait3A_327 = arith.constant 0 : i32
      %dma_wait3A_328 = tpu.memref_slice %arg4[%mul3A_318, %dma_wait3A_327] : memref<100000x512xf32, #tpu.memory_space<any>> -> memref<1280x512xf32, #tpu.memory_space<any>>
      tpu.wait_dma2 semaphore(%dma_wait3A_322 : memref<!tpu.dma_semaphore, #tpu.memory_space<semaphore_mem>>) src(%dma_wait3A_328 : memref<1280x512xf32, #tpu.memory_space<any>>) dst(%dma_wait3A_326 : memref<1280x512xf32, #tpu.memory_space<vmem>>)
      %get3A_329 = arith.constant 0 : index
      %get3A_330 = arith.constant 0 : index
      %get3A_331 = vector.load %arg6[%get3A_329, %get3A_330] : memref<1x512xf32, #tpu.memory_space<vmem>>, vector<1x512xf32>
      %get3A_332 = arith.constant 3 : index
      %get3A_333 = arith.constant 0 : index
      %get3A_334 = arith.constant 0 : index
      %get3A_335 = vector.load %arg8[%get3A_332, %get3A_333, %get3A_334] : memref<6x1280x512xf32, #tpu.memory_space<vmem>>, vector<1x1280x512xf32>
      %get3A_336 = vector.shape_cast %get3A_335 : vector<1x1280x512xf32> to vector<1280x512xf32>
      %dot_general3A_337 = arith.constant dense<0.000000e+00> : vector<1x1280xf32>
      %dot_general3A_338 = tpu.matmul %get3A_331, %get3A_336, %dot_general3A_337 {dimension_numbers = #tpu.dot_dimension_numbers<[1], [1], [0], [0], [0, 0, 1, 0], [], []>, transpose_lhs_hint = false} : vector<1x512xf32>, vector<1280x512xf32>, vector<1x1280xf32> -> vector<1x1280xf32>
      %mul3A_339 = arith.constant 1280 : i32
      %mul3A_340 = arith.muli %add3A_316, %mul3A_339 : i32
      %get3A_341 = arith.constant 0 : index
      %get3A_342 = arith.index_cast %mul3A_340 : i32 to index
      %get3A_343 = vector.load %arg3[%get3A_341, %get3A_342] : memref<1x100000xf32, #tpu.memory_space<vmem>>, vector<1x1280xf32>
      %add3A_344 = arith.addf %dot_general3A_338, %get3A_343 : vector<1x1280xf32>
      %mul3A_345 = arith.constant 1280 : i32
      %mul3A_346 = arith.muli %add3A_316, %mul3A_345 : i32
      %swap3A_347 = arith.constant 0 : index
      %swap3A_348 = arith.index_cast %mul3A_346 : i32 to index
      %swap3A_349 = vector.load %arg7[%swap3A_347, %swap3A_348] : memref<1x100000xf32, #tpu.memory_space<vmem>>, vector<1x1280xf32>
      tpu.vector_store %arg7[%swap3A_347, %swap3A_348], %add3A_344 {strides = array<i32>} : memref<1x100000xf32, #tpu.memory_space<vmem>>, vector<1x1280xf32>,
      %reduce_max3A_350 = vector.shape_cast %add3A_344 : vector<1x1280xf32> to vector<1x1x1280xf32>
      %reduce_max3A_351 = arith.constant dense<0xFF800000> : vector<1xf32>
      %reduce_max3A_352 = vector.multi_reduction <maximumf>, %reduce_max3A_350, %reduce_max3A_351 [1, 2] : vector<1x1x1280xf32> to vector<1xf32>
      %reduce_max3A_353 = vector.shape_cast %reduce_max3A_352 : vector<1xf32> to vector<1x1x1xf32>
      %reduce_max3A_354 = vector.extract %reduce_max3A_353[0, 0, 0] : f32 from vector<1x1x1xf32>
      %max3A_355 = arith.maximumf %max3A_293, %reduce_max3A_354 : f32
      %sub3A_356 = arith.subf %max3A_293, %max3A_355 : f32
      %exp3A_357 = math.exp %sub3A_356 : f32
      %mul3A_358 = arith.mulf %add3A_305, %exp3A_357 : f32
      %sub3A_359 = vector.broadcast %max3A_355 : f32 to vector<1x1280xf32>
      %sub3A_360 = arith.subf %add3A_344, %sub3A_359 : vector<1x1280xf32>
      %exp3A_361 = math.exp %sub3A_360 : vector<1x1280xf32>
      %reduce_sum3A_362 = vector.shape_cast %exp3A_361 : vector<1x1280xf32> to vector<1x1x1280xf32>
      %reduce_sum3A_363 = arith.constant dense<0.000000e+00> : vector<1xf32>
      %reduce_sum3A_364 = vector.multi_reduction <add>, %reduce_sum3A_362, %reduce_sum3A_363 [1, 2] : vector<1x1x1280xf32> to vector<1xf32>
      %reduce_sum3A_365 = vector.shape_cast %reduce_sum3A_364 : vector<1xf32> to vector<1x1x1xf32>
      %reduce_sum3A_366 = vector.extract %reduce_sum3A_365[0, 0, 0] : f32 from vector<1x1x1xf32>
      %add3A_367 = arith.addf %mul3A_358, %reduce_sum3A_366 : f32
      %add3A_368 = arith.constant 6 : i32
      %add3A_369 = arith.addi %add3A_316, %add3A_368 : i32
      %lt3A_370 = arith.constant 78 : i32
      %lt3A_371 = arith.cmpi slt, %add3A_369, %lt3A_370 : i32
      %convert_element_type3A_372 = arith.extui %lt3A_371 : i1 to i32
      %cond3A_373 = arith.constant 0 : i32
      %cond3A_374 = arith.cmpi ne, %convert_element_type3A_372, %cond3A_373 : i32
      scf.if %cond3A_374 {
        %add3A_499 = arith.constant 6 : i32
        %add3A_500 = arith.addi %add3A_316, %add3A_499 : i32
        %mul3A_501 = arith.constant 1280 : i32
        %mul3A_502 = arith.muli %add3A_500, %mul3A_501 : i32
        %dma_start3A_503 = arith.constant 3 : i32
        %dma_start3A_504 = arith.constant 3 : i32
        %dma_start3A_505 = tpu.memref_slice %arg10[%dma_start3A_504] : memref<6x!tpu.dma_semaphore, #tpu.memory_space<semaphore_mem>> -> memref<1x!tpu.dma_semaphore, #tpu.memory_space<semaphore_mem>>
        %dma_start3A_506 = tpu.memref_squeeze %dma_start3A_505 : memref<1x!tpu.dma_semaphore, #tpu.memory_space<semaphore_mem>> -> memref<!tpu.dma_semaphore, #tpu.memory_space<semaphore_mem>>
        %dma_start3A_507 = arith.constant 0 : i32
        %dma_start3A_508 = arith.constant 0 : i32
        %dma_start3A_509 = tpu.memref_slice %arg8[%dma_start3A_503, %dma_start3A_507, %dma_start3A_508] : memref<6x1280x512xf32, #tpu.memory_space<vmem>> -> memref<1x1280x512xf32, #tpu.memory_space<vmem>>
        %dma_start3A_510 = tpu.memref_squeeze %dma_start3A_509 : memref<1x1280x512xf32, #tpu.memory_space<vmem>> -> memref<1280x512xf32, #tpu.memory_space<vmem>>
        %dma_start3A_511 = arith.constant 0 : i32
        %dma_start3A_512 = tpu.memref_slice %arg4[%mul3A_502, %dma_start3A_511] : memref<100000x512xf32, #tpu.memory_space<any>> -> memref<1280x512xf32, #tpu.memory_space<any>>
        tpu.enqueue_dma source(%dma_start3A_512 : memref<1280x512xf32, #tpu.memory_space<any>>) target(%dma_start3A_510 : memref<1280x512xf32, #tpu.memory_space<vmem>>) target_semaphore(%dma_start3A_506 : memref<!tpu.dma_semaphore, #tpu.memory_space<semaphore_mem>>)
      } else {
      }
      %mul3A_375 = arith.constant 6 : i32
      %mul3A_376 = arith.muli %mul3A_375, %scan3A_127 : i32
      %add3A_377 = arith.constant 4 : i32
      %add3A_378 = arith.addi %mul3A_376, %add3A_377 : i32
      %mul3A_379 = arith.constant 1280 : i32
      %mul3A_380 = arith.muli %add3A_378, %mul3A_379 : i32
      %dma_wait3A_381 = arith.constant 4 : i32
      %dma_wait3A_382 = arith.constant 4 : i32
      %dma_wait3A_383 = tpu.memref_slice %arg10[%dma_wait3A_382] : memref<6x!tpu.dma_semaphore, #tpu.memory_space<semaphore_mem>> -> memref<1x!tpu.dma_semaphore, #tpu.memory_space<semaphore_mem>>
      %dma_wait3A_384 = tpu.memref_squeeze %dma_wait3A_383 : memref<1x!tpu.dma_semaphore, #tpu.memory_space<semaphore_mem>> -> memref<!tpu.dma_semaphore, #tpu.memory_space<semaphore_mem>>
      %dma_wait3A_385 = arith.constant 0 : i32
      %dma_wait3A_386 = arith.constant 0 : i32
      %dma_wait3A_387 = tpu.memref_slice %arg8[%dma_wait3A_381, %dma_wait3A_385, %dma_wait3A_386] : memref<6x1280x512xf32, #tpu.memory_space<vmem>> -> memref<1x1280x512xf32, #tpu.memory_space<vmem>>
      %dma_wait3A_388 = tpu.memref_squeeze %dma_wait3A_387 : memref<1x1280x512xf32, #tpu.memory_space<vmem>> -> memref<1280x512xf32, #tpu.memory_space<vmem>>
      %dma_wait3A_389 = arith.constant 0 : i32
      %dma_wait3A_390 = tpu.memref_slice %arg4[%mul3A_380, %dma_wait3A_389] : memref<100000x512xf32, #tpu.memory_space<any>> -> memref<1280x512xf32, #tpu.memory_space<any>>
      tpu.wait_dma2 semaphore(%dma_wait3A_384 : memref<!tpu.dma_semaphore, #tpu.memory_space<semaphore_mem>>) src(%dma_wait3A_390 : memref<1280x512xf32, #tpu.memory_space<any>>) dst(%dma_wait3A_388 : memref<1280x512xf32, #tpu.memory_space<vmem>>)
      %get3A_391 = arith.constant 0 : index
      %get3A_392 = arith.constant 0 : index
      %get3A_393 = vector.load %arg6[%get3A_391, %get3A_392] : memref<1x512xf32, #tpu.memory_space<vmem>>, vector<1x512xf32>
      %get3A_394 = arith.constant 4 : index
      %get3A_395 = arith.constant 0 : index
      %get3A_396 = arith.constant 0 : index
      %get3A_397 = vector.load %arg8[%get3A_394, %get3A_395, %get3A_396] : memref<6x1280x512xf32, #tpu.memory_space<vmem>>, vector<1x1280x512xf32>
      %get3A_398 = vector.shape_cast %get3A_397 : vector<1x1280x512xf32> to vector<1280x512xf32>
      %dot_general3A_399 = arith.constant dense<0.000000e+00> : vector<1x1280xf32>
      %dot_general3A_400 = tpu.matmul %get3A_393, %get3A_398, %dot_general3A_399 {dimension_numbers = #tpu.dot_dimension_numbers<[1], [1], [0], [0], [0, 0, 1, 0], [], []>, transpose_lhs_hint = false} : vector<1x512xf32>, vector<1280x512xf32>, vector<1x1280xf32> -> vector<1x1280xf32>
      %mul3A_401 = arith.constant 1280 : i32
      %mul3A_402 = arith.muli %add3A_378, %mul3A_401 : i32
      %get3A_403 = arith.constant 0 : index
      %get3A_404 = arith.index_cast %mul3A_402 : i32 to index
      %get3A_405 = vector.load %arg3[%get3A_403, %get3A_404] : memref<1x100000xf32, #tpu.memory_space<vmem>>, vector<1x1280xf32>
      %add3A_406 = arith.addf %dot_general3A_400, %get3A_405 : vector<1x1280xf32>
      %mul3A_407 = arith.constant 1280 : i32
      %mul3A_408 = arith.muli %add3A_378, %mul3A_407 : i32
      %swap3A_409 = arith.constant 0 : index
      %swap3A_410 = arith.index_cast %mul3A_408 : i32 to index
      %swap3A_411 = vector.load %arg7[%swap3A_409, %swap3A_410] : memref<1x100000xf32, #tpu.memory_space<vmem>>, vector<1x1280xf32>
      tpu.vector_store %arg7[%swap3A_409, %swap3A_410], %add3A_406 {strides = array<i32>} : memref<1x100000xf32, #tpu.memory_space<vmem>>, vector<1x1280xf32>,
      %reduce_max3A_412 = vector.shape_cast %add3A_406 : vector<1x1280xf32> to vector<1x1x1280xf32>
      %reduce_max3A_413 = arith.constant dense<0xFF800000> : vector<1xf32>
      %reduce_max3A_414 = vector.multi_reduction <maximumf>, %reduce_max3A_412, %reduce_max3A_413 [1, 2] : vector<1x1x1280xf32> to vector<1xf32>
      %reduce_max3A_415 = vector.shape_cast %reduce_max3A_414 : vector<1xf32> to vector<1x1x1xf32>
      %reduce_max3A_416 = vector.extract %reduce_max3A_415[0, 0, 0] : f32 from vector<1x1x1xf32>
      %max3A_417 = arith.maximumf %max3A_355, %reduce_max3A_416 : f32
      %sub3A_418 = arith.subf %max3A_355, %max3A_417 : f32
      %exp3A_419 = math.exp %sub3A_418 : f32
      %mul3A_420 = arith.mulf %add3A_367, %exp3A_419 : f32
      %sub3A_421 = vector.broadcast %max3A_417 : f32 to vector<1x1280xf32>
      %sub3A_422 = arith.subf %add3A_406, %sub3A_421 : vector<1x1280xf32>
      %exp3A_423 = math.exp %sub3A_422 : vector<1x1280xf32>
      %reduce_sum3A_424 = vector.shape_cast %exp3A_423 : vector<1x1280xf32> to vector<1x1x1280xf32>
      %reduce_sum3A_425 = arith.constant dense<0.000000e+00> : vector<1xf32>
      %reduce_sum3A_426 = vector.multi_reduction <add>, %reduce_sum3A_424, %reduce_sum3A_425 [1, 2] : vector<1x1x1280xf32> to vector<1xf32>
      %reduce_sum3A_427 = vector.shape_cast %reduce_sum3A_426 : vector<1xf32> to vector<1x1x1xf32>
      %reduce_sum3A_428 = vector.extract %reduce_sum3A_427[0, 0, 0] : f32 from vector<1x1x1xf32>
      %add3A_429 = arith.addf %mul3A_420, %reduce_sum3A_428 : f32
      %add3A_430 = arith.constant 6 : i32
      %add3A_431 = arith.addi %add3A_378, %add3A_430 : i32
      %lt3A_432 = arith.constant 78 : i32
      %lt3A_433 = arith.cmpi slt, %add3A_431, %lt3A_432 : i32
      %convert_element_type3A_434 = arith.extui %lt3A_433 : i1 to i32
      %cond3A_435 = arith.constant 0 : i32
      %cond3A_436 = arith.cmpi ne, %convert_element_type3A_434, %cond3A_435 : i32
      scf.if %cond3A_436 {
        %add3A_499 = arith.constant 6 : i32
        %add3A_500 = arith.addi %add3A_378, %add3A_499 : i32
        %mul3A_501 = arith.constant 1280 : i32
        %mul3A_502 = arith.muli %add3A_500, %mul3A_501 : i32
        %dma_start3A_503 = arith.constant 4 : i32
        %dma_start3A_504 = arith.constant 4 : i32
        %dma_start3A_505 = tpu.memref_slice %arg10[%dma_start3A_504] : memref<6x!tpu.dma_semaphore, #tpu.memory_space<semaphore_mem>> -> memref<1x!tpu.dma_semaphore, #tpu.memory_space<semaphore_mem>>
        %dma_start3A_506 = tpu.memref_squeeze %dma_start3A_505 : memref<1x!tpu.dma_semaphore, #tpu.memory_space<semaphore_mem>> -> memref<!tpu.dma_semaphore, #tpu.memory_space<semaphore_mem>>
        %dma_start3A_507 = arith.constant 0 : i32
        %dma_start3A_508 = arith.constant 0 : i32
        %dma_start3A_509 = tpu.memref_slice %arg8[%dma_start3A_503, %dma_start3A_507, %dma_start3A_508] : memref<6x1280x512xf32, #tpu.memory_space<vmem>> -> memref<1x1280x512xf32, #tpu.memory_space<vmem>>
        %dma_start3A_510 = tpu.memref_squeeze %dma_start3A_509 : memref<1x1280x512xf32, #tpu.memory_space<vmem>> -> memref<1280x512xf32, #tpu.memory_space<vmem>>
        %dma_start3A_511 = arith.constant 0 : i32
        %dma_start3A_512 = tpu.memref_slice %arg4[%mul3A_502, %dma_start3A_511] : memref<100000x512xf32, #tpu.memory_space<any>> -> memref<1280x512xf32, #tpu.memory_space<any>>
        tpu.enqueue_dma source(%dma_start3A_512 : memref<1280x512xf32, #tpu.memory_space<any>>) target(%dma_start3A_510 : memref<1280x512xf32, #tpu.memory_space<vmem>>) target_semaphore(%dma_start3A_506 : memref<!tpu.dma_semaphore, #tpu.memory_space<semaphore_mem>>)
      } else {
      }
      %mul3A_437 = arith.constant 6 : i32
      %mul3A_438 = arith.muli %mul3A_437, %scan3A_127 : i32
      %add3A_439 = arith.constant 5 : i32
      %add3A_440 = arith.addi %mul3A_438, %add3A_439 : i32
      %mul3A_441 = arith.constant 1280 : i32
      %mul3A_442 = arith.muli %add3A_440, %mul3A_441 : i32
      %dma_wait3A_443 = arith.constant 5 : i32
      %dma_wait3A_444 = arith.constant 5 : i32
      %dma_wait3A_445 = tpu.memref_slice %arg10[%dma_wait3A_444] : memref<6x!tpu.dma_semaphore, #tpu.memory_space<semaphore_mem>> -> memref<1x!tpu.dma_semaphore, #tpu.memory_space<semaphore_mem>>
      %dma_wait3A_446 = tpu.memref_squeeze %dma_wait3A_445 : memref<1x!tpu.dma_semaphore, #tpu.memory_space<semaphore_mem>> -> memref<!tpu.dma_semaphore, #tpu.memory_space<semaphore_mem>>
      %dma_wait3A_447 = arith.constant 0 : i32
      %dma_wait3A_448 = arith.constant 0 : i32
      %dma_wait3A_449 = tpu.memref_slice %arg8[%dma_wait3A_443, %dma_wait3A_447, %dma_wait3A_448] : memref<6x1280x512xf32, #tpu.memory_space<vmem>> -> memref<1x1280x512xf32, #tpu.memory_space<vmem>>
      %dma_wait3A_450 = tpu.memref_squeeze %dma_wait3A_449 : memref<1x1280x512xf32, #tpu.memory_space<vmem>> -> memref<1280x512xf32, #tpu.memory_space<vmem>>
      %dma_wait3A_451 = arith.constant 0 : i32
      %dma_wait3A_452 = tpu.memref_slice %arg4[%mul3A_442, %dma_wait3A_451] : memref<100000x512xf32, #tpu.memory_space<any>> -> memref<1280x512xf32, #tpu.memory_space<any>>
      tpu.wait_dma2 semaphore(%dma_wait3A_446 : memref<!tpu.dma_semaphore, #tpu.memory_space<semaphore_mem>>) src(%dma_wait3A_452 : memref<1280x512xf32, #tpu.memory_space<any>>) dst(%dma_wait3A_450 : memref<1280x512xf32, #tpu.memory_space<vmem>>)
      %get3A_453 = arith.constant 0 : index
      %get3A_454 = arith.constant 0 : index
      %get3A_455 = vector.load %arg6[%get3A_453, %get3A_454] : memref<1x512xf32, #tpu.memory_space<vmem>>, vector<1x512xf32>
      %get3A_456 = arith.constant 5 : index
      %get3A_457 = arith.constant 0 : index
      %get3A_458 = arith.constant 0 : index
      %get3A_459 = vector.load %arg8[%get3A_456, %get3A_457, %get3A_458] : memref<6x1280x512xf32, #tpu.memory_space<vmem>>, vector<1x1280x512xf32>
      %get3A_460 = vector.shape_cast %get3A_459 : vector<1x1280x512xf32> to vector<1280x512xf32>
      %dot_general3A_461 = arith.constant dense<0.000000e+00> : vector<1x1280xf32>
      %dot_general3A_462 = tpu.matmul %get3A_455, %get3A_460, %dot_general3A_461 {dimension_numbers = #tpu.dot_dimension_numbers<[1], [1], [0], [0], [0, 0, 1, 0], [], []>, transpose_lhs_hint = false} : vector<1x512xf32>, vector<1280x512xf32>, vector<1x1280xf32> -> vector<1x1280xf32>
      %mul3A_463 = arith.constant 1280 : i32
      %mul3A_464 = arith.muli %add3A_440, %mul3A_463 : i32
      %get3A_465 = arith.constant 0 : index
      %get3A_466 = arith.index_cast %mul3A_464 : i32 to index
      %get3A_467 = vector.load %arg3[%get3A_465, %get3A_466] : memref<1x100000xf32, #tpu.memory_space<vmem>>, vector<1x1280xf32>
      %add3A_468 = arith.addf %dot_general3A_462, %get3A_467 : vector<1x1280xf32>
      %mul3A_469 = arith.constant 1280 : i32
      %mul3A_470 = arith.muli %add3A_440, %mul3A_469 : i32
      %swap3A_471 = arith.constant 0 : index
      %swap3A_472 = arith.index_cast %mul3A_470 : i32 to index
      %swap3A_473 = vector.load %arg7[%swap3A_471, %swap3A_472] : memref<1x100000xf32, #tpu.memory_space<vmem>>, vector<1x1280xf32>
      tpu.vector_store %arg7[%swap3A_471, %swap3A_472], %add3A_468 {strides = array<i32>} : memref<1x100000xf32, #tpu.memory_space<vmem>>, vector<1x1280xf32>,
      %reduce_max3A_474 = vector.shape_cast %add3A_468 : vector<1x1280xf32> to vector<1x1x1280xf32>
      %reduce_max3A_475 = arith.constant dense<0xFF800000> : vector<1xf32>
      %reduce_max3A_476 = vector.multi_reduction <maximumf>, %reduce_max3A_474, %reduce_max3A_475 [1, 2] : vector<1x1x1280xf32> to vector<1xf32>
      %reduce_max3A_477 = vector.shape_cast %reduce_max3A_476 : vector<1xf32> to vector<1x1x1xf32>
      %reduce_max3A_478 = vector.extract %reduce_max3A_477[0, 0, 0] : f32 from vector<1x1x1xf32>
      %max3A_479 = arith.maximumf %max3A_417, %reduce_max3A_478 : f32
      %sub3A_480 = arith.subf %max3A_417, %max3A_479 : f32
      %exp3A_481 = math.exp %sub3A_480 : f32
      %mul3A_482 = arith.mulf %add3A_429, %exp3A_481 : f32
      %sub3A_483 = vector.broadcast %max3A_479 : f32 to vector<1x1280xf32>
      %sub3A_484 = arith.subf %add3A_468, %sub3A_483 : vector<1x1280xf32>
      %exp3A_485 = math.exp %sub3A_484 : vector<1x1280xf32>
      %reduce_sum3A_486 = vector.shape_cast %exp3A_485 : vector<1x1280xf32> to vector<1x1x1280xf32>
      %reduce_sum3A_487 = arith.constant dense<0.000000e+00> : vector<1xf32>
      %reduce_sum3A_488 = vector.multi_reduction <add>, %reduce_sum3A_486, %reduce_sum3A_487 [1, 2] : vector<1x1x1280xf32> to vector<1xf32>
      %reduce_sum3A_489 = vector.shape_cast %reduce_sum3A_488 : vector<1xf32> to vector<1x1x1xf32>
      %reduce_sum3A_490 = vector.extract %reduce_sum3A_489[0, 0, 0] : f32 from vector<1x1x1xf32>
      %add3A_491 = arith.addf %mul3A_482, %reduce_sum3A_490 : f32
      %add3A_492 = arith.constant 6 : i32
      %add3A_493 = arith.addi %add3A_440, %add3A_492 : i32
      %lt3A_494 = arith.constant 78 : i32
      %lt3A_495 = arith.cmpi slt, %add3A_493, %lt3A_494 : i32
      %convert_element_type3A_496 = arith.extui %lt3A_495 : i1 to i32
      %cond3A_497 = arith.constant 0 : i32
      %cond3A_498 = arith.cmpi ne, %convert_element_type3A_496, %cond3A_497 : i32
      scf.if %cond3A_498 {
        %add3A_499 = arith.constant 6 : i32
        %add3A_500 = arith.addi %add3A_440, %add3A_499 : i32
        %mul3A_501 = arith.constant 1280 : i32
        %mul3A_502 = arith.muli %add3A_500, %mul3A_501 : i32
        %dma_start3A_503 = arith.constant 5 : i32
        %dma_start3A_504 = arith.constant 5 : i32
        %dma_start3A_505 = tpu.memref_slice %arg10[%dma_start3A_504] : memref<6x!tpu.dma_semaphore, #tpu.memory_space<semaphore_mem>> -> memref<1x!tpu.dma_semaphore, #tpu.memory_space<semaphore_mem>>
        %dma_start3A_506 = tpu.memref_squeeze %dma_start3A_505 : memref<1x!tpu.dma_semaphore, #tpu.memory_space<semaphore_mem>> -> memref<!tpu.dma_semaphore, #tpu.memory_space<semaphore_mem>>
        %dma_start3A_507 = arith.constant 0 : i32
        %dma_start3A_508 = arith.constant 0 : i32
        %dma_start3A_509 = tpu.memref_slice %arg8[%dma_start3A_503, %dma_start3A_507, %dma_start3A_508] : memref<6x1280x512xf32, #tpu.memory_space<vmem>> -> memref<1x1280x512xf32, #tpu.memory_space<vmem>>
        %dma_start3A_510 = tpu.memref_squeeze %dma_start3A_509 : memref<1x1280x512xf32, #tpu.memory_space<vmem>> -> memref<1280x512xf32, #tpu.memory_space<vmem>>
        %dma_start3A_511 = arith.constant 0 : i32
        %dma_start3A_512 = tpu.memref_slice %arg4[%mul3A_502, %dma_start3A_511] : memref<100000x512xf32, #tpu.memory_space<any>> -> memref<1280x512xf32, #tpu.memory_space<any>>
        tpu.enqueue_dma source(%dma_start3A_512 : memref<1280x512xf32, #tpu.memory_space<any>>) target(%dma_start3A_510 : memref<1280x512xf32, #tpu.memory_space<vmem>>) target_semaphore(%dma_start3A_506 : memref<!tpu.dma_semaphore, #tpu.memory_space<semaphore_mem>>)
      } else {
      }
      scf.yield %max3A_479, %add3A_491 : f32, f32
    }
    %scan3A_87 = arith.constant 13 : i32
    %dma_wait3A = arith.constant 99840 : i32
    %dma_wait3A_88 = arith.constant 0 : i32
    %dma_wait3A_89 = tpu.memref_slice %arg4[%dma_wait3A, %dma_wait3A_88] : memref<100000x512xf32, #tpu.memory_space<any>> -> memref<160x512xf32, #tpu.memory_space<any>>
    tpu.wait_dma2 semaphore(%arg11 : memref<!tpu.dma_semaphore, #tpu.memory_space<semaphore_mem>>) src(%dma_wait3A_89 : memref<160x512xf32, #tpu.memory_space<any>>) dst(%arg9 : memref<160x512xf32, #tpu.memory_space<vmem>>)
    %get3A_90 = arith.constant 0 : index
    %get3A_91 = arith.constant 0 : index
    %get3A_92 = vector.load %arg6[%get3A_90, %get3A_91] : memref<1x512xf32, #tpu.memory_space<vmem>>, vector<1x512xf32>
    %get3A_93 = arith.constant 0 : index
    %get3A_94 = arith.constant 0 : index
    %get3A_95 = vector.load %arg9[%get3A_93, %get3A_94] : memref<160x512xf32, #tpu.memory_space<vmem>>, vector<160x512xf32>
    %dot_general3A_96 = arith.constant dense<0.000000e+00> : vector<1x160xf32>
    %dot_general3A_97 = tpu.matmul %get3A_92, %get3A_95, %dot_general3A_96 {dimension_numbers = #tpu.dot_dimension_numbers<[1], [1], [0], [0], [0, 0, 1, 0], [], []>, transpose_lhs_hint = false} : vector<1x512xf32>, vector<160x512xf32>, vector<1x160xf32> -> vector<1x160xf32>
    %get3A_98 = arith.constant 0 : index
    %get3A_99 = arith.constant 99840 : index
    %get3A_100 = vector.load %arg3[%get3A_98, %get3A_99] : memref<1x100000xf32, #tpu.memory_space<vmem>>, vector<1x160xf32>
    %add3A_101 = arith.addf %dot_general3A_97, %get3A_100 : vector<1x160xf32>
    %swap3A_102 = arith.constant 0 : index
    %swap3A_103 = arith.constant 99840 : index
    %swap3A_104 = vector.load %arg7[%swap3A_102, %swap3A_103] : memref<1x100000xf32, #tpu.memory_space<vmem>>, vector<1x160xf32>
    tpu.vector_store %arg7[%swap3A_102, %swap3A_103], %add3A_101 {strides = array<i32>} : memref<1x100000xf32, #tpu.memory_space<vmem>>, vector<1x160xf32>,
    %reduce_max3A = vector.shape_cast %add3A_101 : vector<1x160xf32> to vector<1x1x160xf32>
    %reduce_max3A_105 = arith.constant dense<0xFF800000> : vector<1xf32>
    %reduce_max3A_106 = vector.multi_reduction <maximumf>, %reduce_max3A, %reduce_max3A_105 [1, 2] : vector<1x1x160xf32> to vector<1xf32>
    %reduce_max3A_107 = vector.shape_cast %reduce_max3A_106 : vector<1xf32> to vector<1x1x1xf32>
    %reduce_max3A_108 = vector.extract %reduce_max3A_107[0, 0, 0] : f32 from vector<1x1x1xf32>
    %max3A_109 = arith.maximumf %scan3A_86#0, %reduce_max3A_108 : f32
    %sub3A = arith.subf %scan3A_86#0, %max3A_109 : f32
    %exp3A = math.exp %sub3A : f32
    %mul3A = arith.mulf %scan3A_86#1, %exp3A : f32
    %sub3A_110 = vector.broadcast %max3A_109 : f32 to vector<1x160xf32>
    %sub3A_111 = arith.subf %add3A_101, %sub3A_110 : vector<1x160xf32>
    %exp3A_112 = math.exp %sub3A_111 : vector<1x160xf32>
    %reduce_sum3A = vector.shape_cast %exp3A_112 : vector<1x160xf32> to vector<1x1x160xf32>
    %reduce_sum3A_113 = arith.constant dense<0.000000e+00> : vector<1xf32>
    %reduce_sum3A_114 = vector.multi_reduction <add>, %reduce_sum3A, %reduce_sum3A_113 [1, 2] : vector<1x1x160xf32> to vector<1xf32>
    %reduce_sum3A_115 = vector.shape_cast %reduce_sum3A_114 : vector<1xf32> to vector<1x1x1xf32>
    %reduce_sum3A_116 = vector.extract %reduce_sum3A_115[0, 0, 0] : f32 from vector<1x1x1xf32>
    %add3A_117 = arith.addf %mul3A, %reduce_sum3A_116 : f32
    %log3A = math.log %add3A_117 : f32
    %add3A_118 = arith.addf %max3A_109, %log3A : f32
    %get3A_119 = arith.constant 0 : index
    %get3A_120 = arith.constant 0 : index
    %get3A_121 = vector.load %arg7[%get3A_119, %get3A_120] : memref<1x100000xf32, #tpu.memory_space<vmem>>, vector<1x100000xf32>
    %sub3A_122 = vector.broadcast %add3A_118 : f32 to vector<1x100000xf32>
    %sub3A_123 = arith.subf %get3A_121, %sub3A_122 : vector<1x100000xf32>
    %swap3A_124 = arith.constant 0 : index
    %swap3A_125 = arith.constant 0 : index
    %swap3A_126 = vector.load %arg5[%swap3A_124, %swap3A_125] : memref<1x100000xf32, #tpu.memory_space<vmem>>, vector<1x100000xf32>
    tpu.vector_store %arg5[%swap3A_124, %swap3A_125], %sub3A_123 {strides = array<i32>} : memref<1x100000xf32, #tpu.memory_space<vmem>>, vector<1x100000xf32>,
    return
  }
}

</mosaic_0001>

<sc_bundles>
// kernel: kernel.4.cloned.1.call-start
scs
__scs_entry_jumppad:
0x0: {  	(pc) =	sbr.rel $0x88, $3  }
0x1: {  	(tag) =	ssettag $0x0;
	lr =	simm.s32 $0x1  }
0x2: {  	[smem:$0x3F9B] =	sst lr;
	_ =	strace $0xD0000000  }
0x3: {  	_ = 	snop  }
0x4: {  	_ = 	snop  }
0x5: {  	_ = 	snop  }
0x6: {  	_ = 	snop  }
0x7: {  	_ = 	snop  }
__scs_overlays_trampoline_lowered:
0x8: {  	[smem:$0x3FAA] =	sst s0  }
0x9: {  	[smem:$0x3FAB] =	sst s1  }
0xa: {  	[smem:$0x3FAC] =	sst s2  }
0xb: {  	[smem:$0x3FAD] =	sst s3  }
0xc: {  	[smem:$0x3FAE] =	sst s4  }
0xd: {  	[smem:$0x3FAF] =	sst s5  }
0xe: {  	[smem:$0x3FB0] =	sst s6  }
0xf: {  	[smem:$0x3FB1] =	sst s7  }
0x10: {  	[smem:$0x3FB2] =	sst s8  }
0x11: {  	[smem:$0x3FB3] =	sst s9;
	s0 =	simm.s32 @!p0 $0x0  }
0x12: {  	s1 =	sld [smem:$0x3F99];
	s0 =	simm.s32 @p0 $0x1  }
0x13: {  	[smem:$0x3FB4] =	sst s0;
	s0 =	simm.s32 @!p1 $0x0  }
0x14: {  	s2 =	sld [smem:$0x3F98];
	s0 =	simm.s32 @p1 $0x1  }
0x15: {  	[smem:$0x3FB5] =	sst s0;
	s0 =	simm.s32 @!p2 $0x0  }
0x16: {  	s3 =	sld [smem:$0x3FDB];
	s0 =	simm.s32 @p2 $0x1  }
0x17: {  	s4 =	simm.s32 $0x1BF5;
	[smem:$0x3FB7] =	sst s0  }
0x18: {  	s0 =	sld [smem:$0x3F9A];
	_ =	swait.ge [sflag:s4], $0x0  }
0x19: {  	s7 =	sld [smem:$0x3F9B]  }
0x1a: {  	s8 =	sadd.s32 $0xFFFFE003, lr  }
0x1b: {  	s9 =	sadd.s32 $0xFFFFFEF7, lr;
	s5 =	simm.s32 $0xFFFFFFFF;
	p2 =	slt.u32 s8, $0xFFFFF086  }
0x1c: {  	p1 =	slt.u32 s9, $0xF7A;
	s5 =	simm.s32 @!p2 $0x0  }
0x1d: {  	s5 =	simm.s32 @p1 $0x1;
	p0 =	seq.s32 s7, s2  }
0x1e: {  	s7 =	smul.u32 @!p0 $0xF7A, s2;
	p2 =	seq.s32 @!p0 s5, $0x0  }
0x1f: {  	s9 =	smul.u32 $0xF7A, s1;
	s8 =	simm.s32 @!p0 $0x1BF5;
	p2 =	por !p2, p0  }
0x20: {  	[sflag:s8] =	ssyncset.s32 @!p0 $0xFFFFF086;
	s6 =	sadd.s32 @!p0 s3, s7;
	s7 =	simm.s32 @!p0 $0x108  }
0x21: {  	s3 =	sadd.s32 s3, s9;
	s6 =	sadd.s32 @!p0 $0x88, s6;
	s7 =	simm.s32 @p2 $0x1082  }
0x22: {  	[simem:s7], [sflag:s8] =	dma.local @!p0 [hbm:s6], $0xF7A  }
0x23: {  	s9 =	sor.u32 $0xD0000000, s2;
	s6 =	simm.s32 $0x108;
	_ =	swait.ge @!p0 [sflag:s8], $0x0  }
0x24: {  	s3 =	sadd.s32 $0x88, s3;
	s6 =	simm.s32 @!p1 $0x1082;
	[sflag:s4] =	ssyncset.s32 $0xFFFFF086  }
0x25: {  	[simem:s6], [sflag:s4] =	dma.local [hbm:s3], $0xF7A  }
0x26: {  	[smem:$0x3F9B] =	sst s1;
	(tag) =	ssettag s2;
	_ =	strace s9  }
0x27: {  	s1 =	sld [smem:$0x3FAB]  }
0x28: {  	s2 =	sld [smem:$0x3FAC]  }
0x29: {  	s4 =	sld [smem:$0x3FAE]  }
0x2a: {  	p0 =	seq.s32 s5, $0x0;
	s5 =	sld [smem:$0x3FAF]  }
0x2b: {  	s6 =	sld [smem:$0x3FB0]  }
0x2c: {  	s7 =	sld [smem:$0x3FB1]  }
0x2d: {  	s3 =	simm.s32 $0x108;
	s8 =	sld [smem:$0x3FB2]  }
0x2e: {  	s3 =	simm.s32 @!p0 $0x1082;
	s9 =	sld [smem:$0x3FB3]  }
0x2f: {  	lr =	sadd.s32 s0, s3;
	s0 =	sld [smem:$0x3FAA]  }
0x30: {  	s3 =	sld [smem:$0x3FAD]  }
0x31: {  	[smem:$0x3FB6] =	sst s10  }
0x32: {  	s10 =	sld [smem:$0x3FB4];
	_ =	sdelay $0x3  }
0x33: {  	p0 =	seq.s32 s10, $0x1;
	s10 =	sld [smem:$0x3FB6];
	_ =	sdelay $0x3  }
0x34: {  	[smem:$0x3FB6] =	sst s10  }
0x35: {  	s10 =	sld [smem:$0x3FB5];
	_ =	sdelay $0x3  }
0x36: {  	p1 =	seq.s32 s10, $0x1;
	s10 =	sld [smem:$0x3FB6];
	_ =	sdelay $0x3  }
0x37: {  	[smem:$0x3FB6] =	sst s10  }
0x38: {  	s10 =	sld [smem:$0x3FB7]  }
0x39: {  	_ = 	snop;
	(pc) =	sbr.ind lr, $3  }
0x3a: {  	_ = 	snop  }
0x3b: {  	_ = 	snop  }
0x3c: {  	p2 =	seq.s32 s10, $0x1;
	s10 =	sld [smem:$0x3FB6]  }
0x3d: {  	_ =	shalt  }
0x3e: {  	_ =	shalt  }
0x3f: {  	_ =	shalt  }
0x40: {  	_ =	shalt  }
0x41: {  	_ =	shalt  }
0x42: {  	_ =	shalt  }
0x43: {  	_ =	shalt  }
0x44: {  	_ =	shalt  }
0x45: {  	_ =	shalt  }
0x46: {  	_ =	shalt  }
0x47: {  	_ =	shalt  }
0x48: {  	_ =	shalt  }
0x49: {  	_ =	shalt  }
0x4a: {  	_ =	shalt  }
0x4b: {  	_ =	shalt  }
0x4c: {  	_ =	shalt  }
0x4d: {  	_ =	shalt  }
0x4e: {  	_ =	shalt  }
0x4f: {  	_ =	shalt  }
0x50: {  	_ =	shalt  }
0x51: {  	_ =	shalt  }
0x52: {  	_ =	shalt  }
0x53: {  	_ =	shalt  }
0x54: {  	_ =	shalt  }
0x55: {  	_ =	shalt  }
0x56: {  	_ =	shalt  }
0x57: {  	_ =	shalt  }
0x58: {  	_ =	shalt  }
0x59: {  	_ =	shalt  }
0x5a: {  	_ =	shalt  }
0x5b: {  	_ =	shalt  }
0x5c: {  	_ =	shalt  }
0x5d: {  	_ =	shalt  }
0x5e: {  	_ =	shalt  }
0x5f: {  	_ =	shalt  }
0x60: {  	_ =	shalt  }
0x61: {  	_ =	shalt  }
0x62: {  	_ =	shalt  }
0x63: {  	_ =	shalt  }
0x64: {  	_ =	shalt  }
0x65: {  	_ =	shalt  }
0x66: {  	_ =	shalt  }
0x67: {  	_ =	shalt  }
0x68: {  	_ =	shalt  }
0x69: {  	_ =	shalt  }
0x6a: {  	_ =	shalt  }
0x6b: {  	_ =	shalt  }
0x6c: {  	_ =	shalt  }
0x6d: {  	_ =	shalt  }
0x6e: {  	_ =	shalt  }
0x6f: {  	_ =	shalt  }
0x70: {  	_ =	shalt  }
0x71: {  	_ =	shalt  }
0x72: {  	_ =	shalt  }
0x73: {  	_ =	shalt  }
0x74: {  	_ =	shalt  }
0x75: {  	_ =	shalt  }
0x76: {  	_ =	shalt  }
0x77: {  	_ =	shalt  }
0x78: {  	_ =	shalt  }
0x79: {  	_ =	shalt  }
0x7a: {  	_ =	shalt  }
0x7b: {  	_ =	shalt  }
0x7c: {  	_ =	shalt  }
0x7d: {  	_ =	shalt  }
0x7e: {  	_ =	shalt  }
0x7f: {  	_ =	shalt  }
0x80: {  	_ =	shalt  }
0x81: {  	_ =	shalt  }
0x82: {  	_ =	shalt  }
0x83: {  	_ =	shalt  }
0x84: {  	_ =	shalt  }
0x85: {  	_ =	shalt  }
0x86: {  	_ =	shalt  }
0x87: {  	_ =	shalt  }
.Lfunc_end0:
.L_simem_size_0:
called_computation_lowered:
.L_overlay_start_0:
0x88: {  	s2 =	sld [smem:$0x3FD9]  }
0x89: {  	s3 =	sld [smem:$0x3FFE];
	_ =	sdelay $0x1  }
0x8a: {  	s1 =	srdreg.scid  }
0x8b: {  	s0 =	sand.u32 $0x1, s1  }
0x8c: {  	s18 =	sshll.u32 s0, $0xA;
	s2 =	sadd.s32 s3, s2  }
0x8d: {  	s2 =	sadd.s32 s2, s18  }
0x8e: {  	[smem:$0x3FC2] =	sst s2  }
0x8f: {  	_ = 	snop  }
0x90: {  	s2 =	sld [smem:$0x3FC9]  }
0x91: {  	s19 =	sld [smem:$0x3FC8]  }
0x92: {  	s4 =	sld [smem:$0x3FD0];
	(tm) =	ssettm $0x1  }
0x93: {  	s5 =	sld [smem:$0x3FFB];
	_ =	sdelay $0x3  }
0x94: {  	_ =	strace s5  }
0x95: {  	s5 =	sld [smem:$0x3FFC];
	_ =	sdelay $0x3  }
0x96: {  	_ =	strace s5  }
0x97: {  	s5 =	sld [smem:$0x3FFD];
	_ =	sdelay $0x3  }
0x98: {  	_ =	strace s5  }
0x99: {  	_ =	strace $0x8FFFFFFF  }
0x9a: {  	s20 =	sld [smem:$0x3FDB];
	_ =	sdelay $0x1  }
0x9b: {  	s6 =	simm.s32 $_scs_section_size  }
0x9c: {  	s7 =	simm.s32 $_size__tile_overlayer_lowered;
	s8 =	simm.s32 $_tile_overlayer_lowered  }
0x9d: {  	s23 =	simm.s32 $0x1BFF;
	s22 =	sshll.u32 s8, $0x1;
	s5 =	sadd.s32 s6, s20  }
0x9e: {  	s9 =	simm.s32 $0x0;
	s21 =	sshll.u32 s7, $0x1;
	s7 =	sadd.s32 s22, s5  }
0x9f: {  	[timem:s9], [sflag:s23] =	dma.local [hbm:s7], s21  }
0xa0: {  	_ =	swait.ge [sflag:s23], s21  }
0xa1: {  	s6 =	ssub.s32 $0x0, s21;
	[sflag:s23] =	ssyncset.done $0x0  }
0xa2: {  	[sflag:s23] =	ssyncadd.s32 s6;
	_ =	sdelay $0x1  }
0xa3: {  	s24 =	simm.s32 $0x1B8B  }
0xa4: {  	_ =	swait.ge [sflag:s24], $0x1  }
0xa5: {  	[sflag:s24] =	ssyncset.done $0x0  }
0xa6: {  	s25 =	simm.s32 $0x1B8E;
	[sflag:s24] =	ssyncadd.s32 $0xFFFFFFFF  }
0xa7: {  	s26 =	simm.s32 $execute0_lowered;
	[smem:$0x3FD2] =	sst s25  }
0xa8: {  	s6 =	sshll.u32 s26, $0x1;
	_ =	strace $0x80000046;
	[dreg:$0x1] =	wrdreg $0xFFFFFFFF  }
0xa9: {  	s28 =	simm.s32 $_size_execute0_lowered;
	s5 =	sadd.s32 s5, s6;
	[dreg:$0x0] =	wrdreg $0x0  }
0xaa: {  	s6 =	sshll.u32 s28, $0x1;
	[dreg:$0x2] =	wrdreg s5  }
0xab: {  	[dreg:$0x3] =	wrdreg s6  }
0xac: {  	[dreg:$0x4] =	wrdreg $0xC0  }
0xad: {  	_ =	task [dreg:s9], $0x5FFFF  }
0xae: {  	[dreg:$0x1] =	wrdreg $0xFFFFFFFF  }
0xaf: {  	[dreg:$0x0] =	wrdreg $0x60  }
0xb0: {  	[dreg:$0x2] =	wrdreg s2  }
0xb1: {  	[dreg:$0x3] =	wrdreg s19  }
0xb2: {  	[dreg:$0x4] =	wrdreg s4  }
0xb3: {  	[dreg:$0x5] =	wrdreg $0x9  }
0xb4: {  	_ =	task.clear_ibuf [dreg:s9], $0x6FFFF;
	_ =	strace $0x90000046  }
0xb5: {  	s29 =	simm.s32 $0x9;
	_ =	strace $0x80000048  }
0xb6: {  	_ =	swait.ge [sflag:s29], $0x1  }
0xb7: {  	[sflag:s29] =	ssyncadd.s32 $0xFFFFFFFF  }
0xb8: {  	_ =	strace $0x90000048  }
0xb9: {  	_ =	sfence  }
0xba: {  	s30 =	sld [smem:$0x0];
	_ =	sdelay $0x2  }
0xbb: {  	s31 =	sshll.u32 s1, $0xD;
	s1 =	sshrl.u32 s1, $0x2  }
0xbc: {  	s3 =	sand.u32 $0x4000, s31;
	s1 =	sadd.s32 s1, s30  }
0xbd: {  	s0 =	sor.u32 s3, s0;
	s1 =	sshll.u32 s1, $0x11  }
0xbe: {  	s0 =	sor.u32 s1, s0  }
0xbf: {  	s0 =	sadd.s32 $0x8F2B, s0  }
0xc0: {  	[sflag:s0] =	ssyncadd.remote.s32 $0x1  }
0xc1: {  	_ =	sfence.sel $0xFFFF  }
0xc2: {  	[dreg:$0x0] =	wrdreg $0xFFFFFFFF;
	(pc) =	sbr.abs _section_cstart, $3  }
0xc3: {  	[dreg:$0x1] =	wrdreg $0xFFFFFFFF  }
0xc4: {  	_ =	task.clear_ibuf [dreg:s9], $0x2FFFF;
	_ =	strace $0x9FFFFFFF  }
0xc5: {  	(tm) =	ssettm $0x7FFFFFFF  }
tec
execute0_lowered:
.L_overlay_start_1:
0x0: {  	(tag) =	ssettag $0x1  }
0x1: {  	s0 =	srdreg.scid  }
0x2: {  	s10 =	sand.u32 $0x1, s0;
	s0 =	stileid.u32  }
0x3: {  	s5 =	sor.u32 s0, s10  }
0x4: {  	p0 =	sne.s32 s5, $0x0  }
.Ltmp0:
0x5: {  	_ = 	snop;
	(pc) =	sbr.rel @p0 .LBB2_4-.Ltmp0, $4  }
0x6: {  	s2 =	rddreg [dreg:$0x0]  }
0x7: {  	s3 =	rddreg [dreg:$0x1]  }
0x8: {  	s4 =	rddreg [dreg:$0x2]  }
0x9: {  	s1 =	rddreg [dreg:$0x3];
	_ =	strace $0x80000047  }
0xa: {  	s6 =	simm.s32 $0x0;
	s5 =	simm.s32 $0x2  }
0xb: {  	[tilespmem:s6], [sflag:$0x2] =	stream.linear.gather [hbm4b:s2+s6], $0x80, $0x38;
	[tilespmem:$0xC80] =	vst v63  }
0xc: {  	s7 =	simm.s32 $0x14;
	s10 =	ssub.s32 $0x2, s10;
	_ =	swait.ge [sflag:s5], $0x80  }
0xd: {  	s8 =	simm.s32 $0x80;
	s11 =	sshrl.u32 s10, $0x1;
	[sflag:s5] =	ssyncset.done $0x0  }
0xe: {  	s9 =	simm.s32 $0x1;
	s10 =	ssub.s32 s10, s11;
	[sflag:s5] =	ssyncadd.s32 $0xFFFFFF80  }
0xf: {  	[tilespmem:s8], [sflag:$0x1] =	stream.indirect.gather [hbm4b:s3+s7], $0x80, s6, s7, $0xb8;
	[tilespmem:$0xC80] =	vst v63  }
0x10: {  	p0 =	sne.s32 s10, $0x1;
	_ =	swait.ge [sflag:s9], $0xA00  }
.Ltmp1:
0x11: {  	[sflag:s9] =	ssyncset.done $0x0;
	(pc) =	sbr.rel @!p0 .LBB2_3-.Ltmp1, $4  }
0x12: {  	[sflag:s9] =	ssyncadd.s32 $0xFFFFF600  }
0x13: {  	[hbm4b:s4+s6] =	stream.linear.scatter [tilespmem:s8], [sflag:$0x2], $0xA00, $0x38;
	[tilespmem:$0xC80] =	vst v63  }
0x14: {  	_ =	swait.ge [sflag:s5], $0xA00  }
0x15: {  	s10 =	sadd.s32 $0xFFFFFFFF, s10;
	[sflag:s5] =	ssyncset.done $0x0  }
.LBB2_2:
0x16: {  	p0 =	sne.s32 s10, $0x1;
	s10 =	sadd.s32 $0xFFFFFFFF, s10;
	[sflag:s5] =	ssyncadd.s32 $0xFFFFF600  }
0x17: {  	[tilespmem:s6], [sflag:$0x2] =	stream.linear.gather [hbm4b:s2+s6], $0x80, $0x38;
	[tilespmem:$0xC80] =	vst v63  }
0x18: {  	_ =	swait.ge [sflag:s5], $0x80  }
0x19: {  	[sflag:s5] =	ssyncset.done $0x0  }
0x1a: {  	[sflag:s5] =	ssyncadd.s32 $0xFFFFFF80  }
0x1b: {  	[tilespmem:s8], [sflag:$0x1] =	stream.indirect.gather [hbm4b:s3+s7], $0x80, s6, s7, $0xb8;
	[tilespmem:$0xC80] =	vst v63  }
0x1c: {  	_ =	swait.ge [sflag:s9], $0xA00  }
.Ltmp2:
0x1d: {  	[sflag:s9] =	ssyncset.done $0x0;
	(pc) =	sbr.rel @p0 .LBB2_2-.Ltmp2, $4  }
0x1e: {  	[sflag:s9] =	ssyncadd.s32 $0xFFFFF600  }
0x1f: {  	[hbm4b:s4+s6] =	stream.linear.scatter [tilespmem:s8], [sflag:$0x2], $0xA00, $0x38;
	[tilespmem:$0xC80] =	vst v63  }
0x20: {  	_ =	swait.ge [sflag:s5], $0xA00  }
0x21: {  	[sflag:s5] =	ssyncset.done $0x0  }
.LBB2_3:
0x22: {  	[sflag:s5] =	ssyncadd.s32 $0xFFFFF600  }
.LBB2_4:
0x23: {  	_ =	sfence.sel $0x180000  }
0x24: {  	[bflag:$0x0] =	sbarrier.arrive $0xFFFF  }
0x25: {  	p0 =	sne.s32 s0, $0x0;
	_ =	strace $0x90000047  }
0x26: {  	s0 =	sadd.s32 @!p0 $0x100000, s1;
	[bflag:$0x2] =	sbarrier.arrive $0xFFFF  }
0x27: {  	[sflag:s0] =	ssyncadd.tile.s32 @!p0 $0x1;
	_ =	shalt  }
.Lfunc_end2:
_tile_overlayer_lowered:
.L_overlay_start_2:
0x28: {  	(tag) =	ssettag $0x2  }
0x29: {  	s0 =	rddreg [dreg:$0x0];
	s2 =	stileid.u32  }
0x2a: {  	s1 =	rddreg [dreg:$0x1];
	p0 =	sne.s32 s2, $0x0  }
0x2b: {  	s3 =	rddreg [dreg:$0x2];
	[bflag:$0x3] =	sbarrier.arrive $0xFFFF;
	s2 =	simm.s32 @!p0 $0x1C02  }
0x2c: {  	[timem:s3], [sflag:s2] =	dma.local @!p0 [hbm:s0], s1  }
0x2d: {  	s0 =	simm.s32 @!p0 $0x2  }
0x2e: {  	_ =	swait.ge @!p0 [sflag:s0], s1  }
0x2f: {  	s1 =	ssub.s32 @!p0 $0x0, s1;
	[sflag:s0] =	ssyncset.done @!p0 $0x0  }
0x30: {  	[sflag:s0] =	ssyncadd.s32 @!p0 s1  }
0x31: {  	[bflag:$0x3] =	sbarrier.arrive $0xFFFF  }
0x32: {  	_ =	shalt  }

</sc_bundles>
